<compile_context>
chip_gen: v7x
topology: tpu7x:2x2x1
jax: 0.10.2.dev20260603
libtpu: 0.0.44.dev20260713+nightly
codegen_flags: <defaults>
</compile_context>

<pallas_src>
import functools

import jax
import jax.numpy as jnp
from jax import lax
from jax.experimental import pallas as pl
from jax.experimental.pallas import tpu as pltpu
from jax.experimental.pallas import tpu_sc as plsc

_B, _N, _M, _K = 8, 20000, 128, 2
_NC, _NS, _L = 2, 16, 16
_NW = _NC * _NS
_CHUNK = (_B * _N) // _NW
_ITERS = (_CHUNK + _L - 1) // _L
_LAST_OFF = _CHUNK - _L
_WPB = _NW // _B
_LN2 = 0.6931471805599453
_SQRT2 = 1.4142135623730951


def _ln(x):
  bits = lax.bitcast_convert_type(x, jnp.int32)
  e = lax.shift_right_arithmetic(bits, 23) - 127
  mbits = lax.bitwise_or(lax.bitwise_and(bits, 0x007FFFFF), 0x3F800000)
  m = lax.bitcast_convert_type(mbits, jnp.float32)
  big = m > _SQRT2
  m = jnp.where(big, m * 0.5, m)
  ef = (e + jnp.where(big, 1, 0)).astype(jnp.float32)
  t = (m - 1.0) / (m + 1.0)
  t2 = t * t
  p = 1.0 / 7.0
  p = 0.2 + t2 * p
  p = 1.0 / 3.0 + t2 * p
  lnm = (2.0 * t) * (1.0 + t2 * p)
  return ef * _LN2 + lnm


@functools.cache
def _build_sc_encode():
  mesh = plsc.VectorSubcoreMesh(core_axis_name="c", subcore_axis_name="s")

  flat = jax.ShapeDtypeStruct((_B * _N,), jnp.float32)

  @functools.partial(
      pl.kernel,
      mesh=mesh,
      compiler_params=pltpu.CompilerParams(
          needs_layout_passes=False, use_tc_tiling_on_sc=False),
      out_type=[flat] * 8,
      scratch_types=[
          pltpu.VMEM((_M, 8), jnp.float32),
          pltpu.VMEM((_CHUNK,), jnp.int32),
          pltpu.VMEM((_CHUNK,), jnp.int32),
      ] + [pltpu.VMEM((_CHUNK,), jnp.float32)] * 12 + [
          pltpu.SemaphoreType.DMA,
          pltpu.SemaphoreType.DMA,
      ],
  )
  def _sc_encode(x1_hbm, y1_hbm, x2_hbm, y2_hbm, tab_hbm, ids_hbm, flg_hbm,
                 cls_hbm, clsm_hbm, hd0_hbm, ht0_hbm, hd1_hbm, ht1_hbm,
                 rm0_hbm, rm1_hbm,
                 tab_v, ids_v, flg_v,
                 x1_v, y1_v, x2_v, y2_v,
                 cls_v, clsm_v, hd0_v, ht0_v, hd1_v, ht1_v, rm0_v, rm1_v,
                 in_sem, out_sem):
    wid = lax.axis_index("s") * _NC + lax.axis_index("c")
    base = wid * _CHUNK
    b = wid // _WPB

    in_sl = pl.ds(base, _CHUNK)
    copies = [
        pltpu.async_copy(tab_hbm.at[pl.ds(b * _M, _M)], tab_v, in_sem),
        pltpu.async_copy(ids_hbm.at[in_sl], ids_v, in_sem),
        pltpu.async_copy(flg_hbm.at[in_sl], flg_v, in_sem),
        pltpu.async_copy(x1_hbm.at[in_sl], x1_v, in_sem),
        pltpu.async_copy(y1_hbm.at[in_sl], y1_v, in_sem),
        pltpu.async_copy(x2_hbm.at[in_sl], x2_v, in_sem),
        pltpu.async_copy(y2_hbm.at[in_sl], y2_v, in_sem),
    ]
    for c in copies:
      c.wait()

    def col(c):
      return jnp.full((_L,), c, jnp.int32)

    @plsc.parallel_loop(0, _ITERS, 1, unroll=8)
    def body(i):
      off = jnp.minimum(i * _L, _LAST_OFF)
      sl = pl.ds(off, _L)
      idv = ids_v[sl]
      flg = flg_v[sl]

      gcls = plsc.load_gather(tab_v, [idv, col(0)])
      fx0 = plsc.load_gather(tab_v, [idv, col(1)])
      fy0 = plsc.load_gather(tab_v, [idv, col(2)])
      fc0 = plsc.load_gather(tab_v, [idv, col(3)])
      fx1 = plsc.load_gather(tab_v, [idv, col(4)])
      fy1 = plsc.load_gather(tab_v, [idv, col(5)])
      fc1 = plsc.load_gather(tab_v, [idv, col(6)])
      x1 = x1_v[sl]
      y1 = y1_v[sl]
      x2 = x2_v[sl]
      y2 = y2_v[sl]

      pos = flg > 0
      force = jnp.logical_or(jnp.logical_not(pos), gcls == 0.0)
      fc0p = jnp.where(force, -1.0, fc0)
      fc1p = jnp.where(force, -1.0, fc1)
      pos_mask = jnp.logical_and(fc0p > 0.0, fc1p > 0.0)
      neg_mask = jnp.logical_or(fc0p == 0.0, fc1p == 0.0)
      ign_mask = jnp.logical_or(fc0p < 0.0, fc1p < 0.0)
      cls = jnp.where(pos_mask, 1.0, 0.0)
      cls = jnp.where(neg_mask, 0.0, cls)
      cls = jnp.where(ign_mask, -1.0, cls)
      clsm = jnp.where(cls >= 0.0, 1.0, 0.0)

      cx = (x1 + x2) * 0.5
      w = x2 - x1
      h = y2 - y1
      bm = jnp.logical_and(w > 0.0, h > 0.0)
      inv_w = 1.0 / w
      inv_h = 1.0 / h

      ht0 = fy0 - y1
      hm0 = jnp.logical_and(bm, ht0 > 0.0)
      htgt0 = jnp.where(hm0, _ln(jnp.maximum(ht0 * inv_h, 1e-30)), 0.0)
      hd0 = jnp.where(hm0, (fx0 - cx) * inv_w, 0.0)
      rm0 = jnp.where(
          jnp.logical_and(jnp.logical_and(pos, fc0 > 0.0), hm0), 1.0, 0.0)

      ht1 = fy1 - y1
      hm1 = jnp.logical_and(bm, ht1 > 0.0)
      htgt1 = jnp.where(hm1, _ln(jnp.maximum(ht1 * inv_h, 1e-30)), 0.0)
      hd1 = jnp.where(hm1, (fx1 - cx) * inv_w, 0.0)
      rm1 = jnp.where(
          jnp.logical_and(jnp.logical_and(pos, fc1 > 0.0), hm1), 1.0, 0.0)

      cls_v[sl] = cls
      clsm_v[sl] = clsm
      hd0_v[sl] = hd0
      ht0_v[sl] = htgt0
      hd1_v[sl] = hd1
      ht1_v[sl] = htgt1
      rm0_v[sl] = rm0
      rm1_v[sl] = rm1

    out_sl = pl.ds(base, _CHUNK)
    out_copies = [
        pltpu.async_copy(cls_v, cls_hbm.at[out_sl], out_sem),
        pltpu.async_copy(clsm_v, clsm_hbm.at[out_sl], out_sem),
        pltpu.async_copy(hd0_v, hd0_hbm.at[out_sl], out_sem),
        pltpu.async_copy(ht0_v, ht0_hbm.at[out_sl], out_sem),
        pltpu.async_copy(hd1_v, hd1_hbm.at[out_sl], out_sem),
        pltpu.async_copy(ht1_v, ht1_hbm.at[out_sl], out_sem),
        pltpu.async_copy(rm0_v, rm0_hbm.at[out_sl], out_sem),
        pltpu.async_copy(rm1_v, rm1_hbm.at[out_sl], out_sem),
    ]
    for c in out_copies:
      c.wait()

  return _sc_encode


def kernel(boxes, gt_boxes, gt_flanks, match_pos_flag, match_gt_id):
  B, N, _ = boxes.shape
  M = gt_boxes.shape[1]
  tab = jnp.concatenate(
      [gt_boxes[..., 4:5],
       gt_flanks[:, :, 0, :],
       gt_flanks[:, :, 1, :],
       jnp.zeros((B, M, 1), jnp.float32)], axis=-1)
  cls, clsm, hd0, ht0, hd1, ht1, rm0, rm1 = _build_sc_encode()(
      boxes[..., 0].reshape(B * N),
      boxes[..., 1].reshape(B * N),
      boxes[..., 2].reshape(B * N),
      boxes[..., 3].reshape(B * N),
      tab.reshape(B * M, 8),
      match_gt_id.astype(jnp.int32).reshape(B * N),
      match_pos_flag.astype(jnp.int32).reshape(B * N),
  )
  cls_label = cls.reshape(B, N)
  cls_label_mask = clsm.reshape(B, N)
  reg_label = jnp.stack(
      [jnp.stack([hd0.reshape(B, N), ht0.reshape(B, N)], axis=-1),
       jnp.stack([hd1.reshape(B, N), ht1.reshape(B, N)], axis=-1)], axis=2)
  rm = jnp.stack(
      [rm0.reshape(B, N) > 0.0, rm1.reshape(B, N) > 0.0], axis=2)[..., None]
  reg_label_mask = jnp.concatenate([rm, rm], axis=-1)
  return (cls_label, cls_label_mask, reg_label, reg_label_mask)

# --- scband reference (transcript-rebuilt; emitter-appended) ---
"""Pipeline reference for scband-match-label-flank-encoder-15719580304266 (READ-ONLY COPY).

The authoritative reference and input builder live on the scoring server;
editing this copy changes nothing except your own understanding.
"""

import jax, jax.numpy as jnp
import numpy as np


def _take_row(data, idx):
    # per-batch row gather: data [B, M, ...], idx [B, N] -> [B, N, ...]
    return jax.vmap(lambda d, i: jnp.take(d, i, axis=0))(data, idx)


def setup_inputs(seed: int = 0):
    key = jax.random.key(seed)
    ks = jax.random.split(key, 10)
    B, N, M, K = 8, 20000, 128, 2
    x1 = jax.random.uniform(ks[0], (B, N, 1)) * 500.0
    y1 = jax.random.uniform(ks[1], (B, N, 1)) * 500.0
    w = jax.random.uniform(ks[2], (B, N, 1)) * 100.0 + 1.0
    h = jax.random.uniform(ks[3], (B, N, 1)) * 100.0 + 1.0
    boxes = jnp.concatenate([x1, y1, x1 + w, y1 + h], axis=-1)
    gt_xyxy = jax.random.uniform(ks[4], (B, M, 4)) * 500.0
    gt_cls = jax.random.randint(ks[5], (B, M, 1), 0, 5).astype(jnp.float32)
    gt_boxes = jnp.concatenate([gt_xyxy, gt_cls], axis=-1)
    fx = jax.random.uniform(ks[6], (B, M, K)) * 600.0
    fy = jax.random.uniform(ks[7], (B, M, K)) * 1000.0
    fcls = jax.random.randint(ks[8], (B, M, K), 0, 4).astype(jnp.float32)
    gt_flanks = jnp.stack([fx, fy, fcls], axis=-1)
    match_pos_flag = jax.random.randint(ks[9], (B, N), 0, 2)
    match_gt_id = jax.random.randint(jax.random.fold_in(key, 11), (B, N), 0, M)
    return {"boxes": boxes, "gt_boxes": gt_boxes, "gt_flanks": gt_flanks,
            "match_pos_flag": match_pos_flag, "match_gt_id": match_gt_id}


def reference(boxes, gt_boxes, gt_flanks, match_pos_flag, match_gt_id):
    # cls_on_hard=False, use_cls=True, reg_on_hard=False, reg_on_inside_only=False
    matched_gt_boxes = _take_row(gt_boxes, match_gt_id)          # [B, N, 5]
    matched_gt_flanks = _take_row(gt_flanks, match_gt_id)        # [B, N, K, 3]
    matched_gt_bbox_cls = matched_gt_boxes[..., 4]               # [B, N]
    flank_cls = matched_gt_flanks[..., 2]                        # [B, N, K]
    pos_match = (match_pos_flag > 0)[..., None]                  # [B, N, 1]
    reg_label_mask = jnp.logical_and(pos_match, flank_cls > 0)   # [B, N, K]
    flank_cls = jnp.where((match_pos_flag <= 0)[..., None], -1.0, flank_cls)
    flank_cls = jnp.where((matched_gt_bbox_cls == 0)[..., None], -1.0, flank_cls)
    pos_mask = jnp.all(flank_cls > 0, axis=-1)
    neg_mask = jnp.any(flank_cls == 0, axis=-1)
    ign_mask = jnp.any(flank_cls < 0, axis=-1)
    cls_label = jnp.zeros(pos_mask.shape, jnp.float32)
    cls_label = jnp.where(pos_mask, 1.0, cls_label)
    cls_label = jnp.where(neg_mask, 0.0, cls_label)
    cls_label = jnp.where(ign_mask, -1.0, cls_label)
    cls_label_mask = (cls_label >= 0).astype(jnp.float32)
    boxes_x1, boxes_y1, boxes_x2, boxes_y2 = jnp.split(boxes, 4, axis=-1)
    boxes_cx = (boxes_x1 + boxes_x2) * 0.5
    boxes_width = boxes_x2 - boxes_x1
    boxes_height = boxes_y2 - boxes_y1
    boxes_mask = jnp.logical_and(boxes_width > 0, boxes_height > 0)
    height = matched_gt_flanks[..., 1] - boxes_y1                # [B, N, K]
    height_mask = jnp.logical_and(boxes_mask, height > 0)
    height_tgt = jnp.where(height_mask, jnp.log(height / boxes_height), jnp.zeros_like(height))
    horizon_delta = jnp.where(height_mask, (matched_gt_flanks[..., 0] - boxes_cx) / boxes_width,
                              jnp.zeros_like(matched_gt_flanks[..., 0]))
    reg_label = jnp.concatenate([horizon_delta[..., None], height_tgt[..., None]], axis=-1)  # [B, N, K, 2]
    reg_label_mask = jnp.logical_and(reg_label_mask, height_mask)
    reg_label_mask = jnp.tile(reg_label_mask[..., None], (1, 1, 1, 2))
    return (cls_label, cls_label_mask, reg_label, reg_label_mask)

if __name__ == "__main__":
    import jax
    _d = setup_inputs()
    print(jax.jit(kernel)(*tuple(_d.values())))

</pallas_src>

<mosaic_0001>
#map = affine_map<(d0, d1) -> (0)>
#map1 = affine_map<(d0, d1) -> (0, 0)>
module attributes {stable_mosaic.version = 14 : i64} {
  func.func @_sc_encode(%arg0: i32, %arg1: i32, %arg2: memref<160000xf32, #tpu.memory_space<hbm>>, %arg3: memref<160000xf32, #tpu.memory_space<hbm>>, %arg4: memref<160000xf32, #tpu.memory_space<hbm>>, %arg5: memref<160000xf32, #tpu.memory_space<hbm>>, %arg6: memref<1024x8xf32, #tpu.memory_space<hbm>>, %arg7: memref<160000xi32, #tpu.memory_space<hbm>>, %arg8: memref<160000xi32, #tpu.memory_space<hbm>>, %arg9: memref<160000xf32, #tpu.memory_space<hbm>>, %arg10: memref<160000xf32, #tpu.memory_space<hbm>>, %arg11: memref<160000xf32, #tpu.memory_space<hbm>>, %arg12: memref<160000xf32, #tpu.memory_space<hbm>>, %arg13: memref<160000xf32, #tpu.memory_space<hbm>>, %arg14: memref<160000xf32, #tpu.memory_space<hbm>>, %arg15: memref<160000xf32, #tpu.memory_space<hbm>>, %arg16: memref<160000xf32, #tpu.memory_space<hbm>>, %arg17: memref<128x8xf32, #tpu.memory_space<vmem>>, %arg18: memref<5000xi32, #tpu.memory_space<vmem>>, %arg19: memref<5000xi32, #tpu.memory_space<vmem>>, %arg20: memref<5000xf32, #tpu.memory_space<vmem>>, %arg21: memref<5000xf32, #tpu.memory_space<vmem>>, %arg22: memref<5000xf32, #tpu.memory_space<vmem>>, %arg23: memref<5000xf32, #tpu.memory_space<vmem>>, %arg24: memref<5000xf32, #tpu.memory_space<vmem>>, %arg25: memref<5000xf32, #tpu.memory_space<vmem>>, %arg26: memref<5000xf32, #tpu.memory_space<vmem>>, %arg27: memref<5000xf32, #tpu.memory_space<vmem>>, %arg28: memref<5000xf32, #tpu.memory_space<vmem>>, %arg29: memref<5000xf32, #tpu.memory_space<vmem>>, %arg30: memref<5000xf32, #tpu.memory_space<vmem>>, %arg31: memref<5000xf32, #tpu.memory_space<vmem>>, %arg32: memref<!tpu.dma_semaphore, #tpu.memory_space<semaphore_mem>>, %arg33: memref<!tpu.dma_semaphore, #tpu.memory_space<semaphore_mem>>) attributes {dimension_semantics = [#tpu.dimension_semantics<core_parallel>, #tpu.dimension_semantics<subcore_parallel>], iteration_bounds = array<i64: 2, 16>, scalar_prefetch = 0 : i64, scratch_operands = 17 : i64, tpu.core_type = #tpu.core_type<sc_vector_subcore>, window_params = [{transform_indices = #map}, {transform_indices = #map}, {transform_indices = #map}, {transform_indices = #map}, {transform_indices = #map1}, {transform_indices = #map}, {transform_indices = #map}, {transform_indices = #map}, {transform_indices = #map}, {transform_indices = #map}, {transform_indices = #map}, {transform_indices = #map}, {transform_indices = #map}, {transform_indices = #map}, {transform_indices = #map}]} {
    %mul3A = arith.constant 2 : i32
    %mul3A_0 = arith.muli %arg1, %mul3A : i32
    %add3A = arith.addi %mul3A_0, %arg0 : i32
    %mul3A_1 = arith.constant 5000 : i32
    %mul3A_2 = arith.muli %add3A, %mul3A_1 : i32
    %jit3A = arith.constant 4 : i32
    %div3A = arith.divsi %add3A, %jit3A : i32
    %sign3A = arith.constant 0 : i32
    %sign3A_3 = arith.cmpi sgt, %add3A, %sign3A : i32
    %sign3A_4 = arith.extui %sign3A_3 : i1 to i32
    %sign3A_5 = arith.constant 0 : i32
    %sign3A_6 = arith.cmpi slt, %add3A, %sign3A_5 : i32
    %sign3A_7 = arith.extui %sign3A_6 : i1 to i32
    %sign3A_8 = arith.subi %sign3A_4, %sign3A_7 : i32
    %sign3A_9 = arith.constant 0 : i32
    %sign3A_10 = arith.cmpi sgt, %jit3A, %sign3A_9 : i32
    %sign3A_11 = arith.extui %sign3A_10 : i1 to i32
    %sign3A_12 = arith.constant 0 : i32
    %sign3A_13 = arith.cmpi slt, %jit3A, %sign3A_12 : i32
    %sign3A_14 = arith.extui %sign3A_13 : i1 to i32
    %sign3A_15 = arith.subi %sign3A_11, %sign3A_14 : i32
    %ne3A = arith.cmpi ne, %sign3A_8, %sign3A_15 : i32
    %rem3A = arith.remsi %add3A, %jit3A : i32
    %ne3A_16 = arith.constant 0 : i32
    %ne3A_17 = arith.cmpi ne, %rem3A, %ne3A_16 : i32
    %and3A = arith.andi %ne3A, %ne3A_17 : i1
    %sub3A = arith.constant 1 : i32
    %sub3A_18 = arith.subi %div3A, %sub3A : i32
    %select_n3A = arith.select %and3A, %sub3A_18, %div3A : i32
    %mul3A_19 = arith.constant 128 : i32
    %mul3A_20 = arith.muli %select_n3A, %mul3A_19 : i32
    %dma_start3A = arith.constant 0 : i32
    %dma_start3A_21 = tpu.memref_slice %arg6[%mul3A_20, %dma_start3A] : memref<1024x8xf32, #tpu.memory_space<hbm>> -> memref<128x8xf32, #tpu.memory_space<hbm>>
    %dma_start3A_22 = arith.constant 0 : i32
    %dma_start3A_23 = tpu.memref_slice %arg6[%mul3A_20, %dma_start3A_22] : memref<1024x8xf32, #tpu.memory_space<hbm>> -> memref<128x8xf32, #tpu.memory_space<hbm>>
    tpu.enqueue_dma source(%dma_start3A_23 : memref<128x8xf32, #tpu.memory_space<hbm>>) target(%arg17 : memref<128x8xf32, #tpu.memory_space<vmem>>) target_semaphore(%arg32 : memref<!tpu.dma_semaphore, #tpu.memory_space<semaphore_mem>>)
    %dma_start3A_24 = tpu.memref_slice %arg7[%mul3A_2] : memref<160000xi32, #tpu.memory_space<hbm>> -> memref<5000xi32, #tpu.memory_space<hbm>>
    %dma_start3A_25 = tpu.memref_slice %arg7[%mul3A_2] : memref<160000xi32, #tpu.memory_space<hbm>> -> memref<5000xi32, #tpu.memory_space<hbm>>
    tpu.enqueue_dma source(%dma_start3A_25 : memref<5000xi32, #tpu.memory_space<hbm>>) target(%arg18 : memref<5000xi32, #tpu.memory_space<vmem>>) target_semaphore(%arg32 : memref<!tpu.dma_semaphore, #tpu.memory_space<semaphore_mem>>)
    %dma_start3A_26 = tpu.memref_slice %arg8[%mul3A_2] : memref<160000xi32, #tpu.memory_space<hbm>> -> memref<5000xi32, #tpu.memory_space<hbm>>
    %dma_start3A_27 = tpu.memref_slice %arg8[%mul3A_2] : memref<160000xi32, #tpu.memory_space<hbm>> -> memref<5000xi32, #tpu.memory_space<hbm>>
    tpu.enqueue_dma source(%dma_start3A_27 : memref<5000xi32, #tpu.memory_space<hbm>>) target(%arg19 : memref<5000xi32, #tpu.memory_space<vmem>>) target_semaphore(%arg32 : memref<!tpu.dma_semaphore, #tpu.memory_space<semaphore_mem>>)
    %dma_start3A_28 = tpu.memref_slice %arg2[%mul3A_2] : memref<160000xf32, #tpu.memory_space<hbm>> -> memref<5000xf32, #tpu.memory_space<hbm>>
    %dma_start3A_29 = tpu.memref_slice %arg2[%mul3A_2] : memref<160000xf32, #tpu.memory_space<hbm>> -> memref<5000xf32, #tpu.memory_space<hbm>>
    tpu.enqueue_dma source(%dma_start3A_29 : memref<5000xf32, #tpu.memory_space<hbm>>) target(%arg20 : memref<5000xf32, #tpu.memory_space<vmem>>) target_semaphore(%arg32 : memref<!tpu.dma_semaphore, #tpu.memory_space<semaphore_mem>>)
    %dma_start3A_30 = tpu.memref_slice %arg3[%mul3A_2] : memref<160000xf32, #tpu.memory_space<hbm>> -> memref<5000xf32, #tpu.memory_space<hbm>>
    %dma_start3A_31 = tpu.memref_slice %arg3[%mul3A_2] : memref<160000xf32, #tpu.memory_space<hbm>> -> memref<5000xf32, #tpu.memory_space<hbm>>
    tpu.enqueue_dma source(%dma_start3A_31 : memref<5000xf32, #tpu.memory_space<hbm>>) target(%arg21 : memref<5000xf32, #tpu.memory_space<vmem>>) target_semaphore(%arg32 : memref<!tpu.dma_semaphore, #tpu.memory_space<semaphore_mem>>)
    %dma_start3A_32 = tpu.memref_slice %arg4[%mul3A_2] : memref<160000xf32, #tpu.memory_space<hbm>> -> memref<5000xf32, #tpu.memory_space<hbm>>
    %dma_start3A_33 = tpu.memref_slice %arg4[%mul3A_2] : memref<160000xf32, #tpu.memory_space<hbm>> -> memref<5000xf32, #tpu.memory_space<hbm>>
    tpu.enqueue_dma source(%dma_start3A_33 : memref<5000xf32, #tpu.memory_space<hbm>>) target(%arg22 : memref<5000xf32, #tpu.memory_space<vmem>>) target_semaphore(%arg32 : memref<!tpu.dma_semaphore, #tpu.memory_space<semaphore_mem>>)
    %dma_start3A_34 = tpu.memref_slice %arg5[%mul3A_2] : memref<160000xf32, #tpu.memory_space<hbm>> -> memref<5000xf32, #tpu.memory_space<hbm>>
    %dma_start3A_35 = tpu.memref_slice %arg5[%mul3A_2] : memref<160000xf32, #tpu.memory_space<hbm>> -> memref<5000xf32, #tpu.memory_space<hbm>>
    tpu.enqueue_dma source(%dma_start3A_35 : memref<5000xf32, #tpu.memory_space<hbm>>) target(%arg23 : memref<5000xf32, #tpu.memory_space<vmem>>) target_semaphore(%arg32 : memref<!tpu.dma_semaphore, #tpu.memory_space<semaphore_mem>>)
    %dma_wait3A = arith.constant 0 : i32
    %dma_wait3A_36 = tpu.memref_slice %arg6[%mul3A_20, %dma_wait3A] : memref<1024x8xf32, #tpu.memory_space<hbm>> -> memref<128x8xf32, #tpu.memory_space<hbm>>
    %dma_wait3A_37 = arith.constant 0 : i32
    %dma_wait3A_38 = tpu.memref_slice %arg6[%mul3A_20, %dma_wait3A_37] : memref<1024x8xf32, #tpu.memory_space<hbm>> -> memref<128x8xf32, #tpu.memory_space<hbm>>
    tpu.wait_dma2 semaphore(%arg32 : memref<!tpu.dma_semaphore, #tpu.memory_space<semaphore_mem>>) src(%dma_wait3A_38 : memref<128x8xf32, #tpu.memory_space<hbm>>) dst(%arg17 : memref<128x8xf32, #tpu.memory_space<vmem>>)
    %dma_wait3A_39 = tpu.memref_slice %arg7[%mul3A_2] : memref<160000xi32, #tpu.memory_space<hbm>> -> memref<5000xi32, #tpu.memory_space<hbm>>
    %dma_wait3A_40 = tpu.memref_slice %arg7[%mul3A_2] : memref<160000xi32, #tpu.memory_space<hbm>> -> memref<5000xi32, #tpu.memory_space<hbm>>
    tpu.wait_dma2 semaphore(%arg32 : memref<!tpu.dma_semaphore, #tpu.memory_space<semaphore_mem>>) src(%dma_wait3A_40 : memref<5000xi32, #tpu.memory_space<hbm>>) dst(%arg18 : memref<5000xi32, #tpu.memory_space<vmem>>)
    %dma_wait3A_41 = tpu.memref_slice %arg8[%mul3A_2] : memref<160000xi32, #tpu.memory_space<hbm>> -> memref<5000xi32, #tpu.memory_space<hbm>>
    %dma_wait3A_42 = tpu.memref_slice %arg8[%mul3A_2] : memref<160000xi32, #tpu.memory_space<hbm>> -> memref<5000xi32, #tpu.memory_space<hbm>>
    tpu.wait_dma2 semaphore(%arg32 : memref<!tpu.dma_semaphore, #tpu.memory_space<semaphore_mem>>) src(%dma_wait3A_42 : memref<5000xi32, #tpu.memory_space<hbm>>) dst(%arg19 : memref<5000xi32, #tpu.memory_space<vmem>>)
    %dma_wait3A_43 = tpu.memref_slice %arg2[%mul3A_2] : memref<160000xf32, #tpu.memory_space<hbm>> -> memref<5000xf32, #tpu.memory_space<hbm>>
    %dma_wait3A_44 = tpu.memref_slice %arg2[%mul3A_2] : memref<160000xf32, #tpu.memory_space<hbm>> -> memref<5000xf32, #tpu.memory_space<hbm>>
    tpu.wait_dma2 semaphore(%arg32 : memref<!tpu.dma_semaphore, #tpu.memory_space<semaphore_mem>>) src(%dma_wait3A_44 : memref<5000xf32, #tpu.memory_space<hbm>>) dst(%arg20 : memref<5000xf32, #tpu.memory_space<vmem>>)
    %dma_wait3A_45 = tpu.memref_slice %arg3[%mul3A_2] : memref<160000xf32, #tpu.memory_space<hbm>> -> memref<5000xf32, #tpu.memory_space<hbm>>
    %dma_wait3A_46 = tpu.memref_slice %arg3[%mul3A_2] : memref<160000xf32, #tpu.memory_space<hbm>> -> memref<5000xf32, #tpu.memory_space<hbm>>
    tpu.wait_dma2 semaphore(%arg32 : memref<!tpu.dma_semaphore, #tpu.memory_space<semaphore_mem>>) src(%dma_wait3A_46 : memref<5000xf32, #tpu.memory_space<hbm>>) dst(%arg21 : memref<5000xf32, #tpu.memory_space<vmem>>)
    %dma_wait3A_47 = tpu.memref_slice %arg4[%mul3A_2] : memref<160000xf32, #tpu.memory_space<hbm>> -> memref<5000xf32, #tpu.memory_space<hbm>>
    %dma_wait3A_48 = tpu.memref_slice %arg4[%mul3A_2] : memref<160000xf32, #tpu.memory_space<hbm>> -> memref<5000xf32, #tpu.memory_space<hbm>>
    tpu.wait_dma2 semaphore(%arg32 : memref<!tpu.dma_semaphore, #tpu.memory_space<semaphore_mem>>) src(%dma_wait3A_48 : memref<5000xf32, #tpu.memory_space<hbm>>) dst(%arg22 : memref<5000xf32, #tpu.memory_space<vmem>>)
    %dma_wait3A_49 = tpu.memref_slice %arg5[%mul3A_2] : memref<160000xf32, #tpu.memory_space<hbm>> -> memref<5000xf32, #tpu.memory_space<hbm>>
    %dma_wait3A_50 = tpu.memref_slice %arg5[%mul3A_2] : memref<160000xf32, #tpu.memory_space<hbm>> -> memref<5000xf32, #tpu.memory_space<hbm>>
    tpu.wait_dma2 semaphore(%arg32 : memref<!tpu.dma_semaphore, #tpu.memory_space<semaphore_mem>>) src(%dma_wait3A_50 : memref<5000xf32, #tpu.memory_space<hbm>>) dst(%arg23 : memref<5000xf32, #tpu.memory_space<vmem>>)
    %parallel_loop3A = arith.constant 0 : i32
    %parallel_loop3A_51 = arith.constant 313 : i32
    %parallel_loop3A_52 = arith.constant 1 : i32
    scf.for %parallel_loop3A_85 = %parallel_loop3A to %parallel_loop3A_51 step %parallel_loop3A_52  : i32 {
      %parallel_loop3A_86 = arith.constant 16 : i32
      %parallel_loop3A_87 = arith.muli %parallel_loop3A_85, %parallel_loop3A_86 : i32
      %parallel_loop3A_88 = arith.constant 4984 : i32
      %parallel_loop3A_89 = arith.minsi %parallel_loop3A_87, %parallel_loop3A_88 : i32
      %parallel_loop3A_90 = arith.index_cast %parallel_loop3A_89 : i32 to index
      %parallel_loop3A_91 = tpu.vector_load %arg18[%parallel_loop3A_90] {strides = array<i32>} : memref<5000xi32, #tpu.memory_space<vmem>>, vector<16xi32>,
      %parallel_loop3A_92 = arith.index_cast %parallel_loop3A_89 : i32 to index
      %parallel_loop3A_93 = tpu.vector_load %arg19[%parallel_loop3A_92] {strides = array<i32>} : memref<5000xi32, #tpu.memory_space<vmem>>, vector<16xi32>,
      %parallel_loop3A_94 = arith.constant 0 : i32
      %parallel_loop3A_95 = vector.broadcast %parallel_loop3A_94 : i32 to vector<16xi32>
      %parallel_loop3A_96 = tpu.vector_load_idx %arg17[%parallel_loop3A_91, %parallel_loop3A_95] : memref<128x8xf32, #tpu.memory_space<vmem>>[vector<16xi32>, vector<16xi32>], vector<16xf32>,
      %parallel_loop3A_97 = arith.constant 1 : i32
      %parallel_loop3A_98 = vector.broadcast %parallel_loop3A_97 : i32 to vector<16xi32>
      %parallel_loop3A_99 = tpu.vector_load_idx %arg17[%parallel_loop3A_91, %parallel_loop3A_98] : memref<128x8xf32, #tpu.memory_space<vmem>>[vector<16xi32>, vector<16xi32>], vector<16xf32>,
      %parallel_loop3A_100 = arith.constant 2 : i32
      %parallel_loop3A_101 = vector.broadcast %parallel_loop3A_100 : i32 to vector<16xi32>
      %parallel_loop3A_102 = tpu.vector_load_idx %arg17[%parallel_loop3A_91, %parallel_loop3A_101] : memref<128x8xf32, #tpu.memory_space<vmem>>[vector<16xi32>, vector<16xi32>], vector<16xf32>,
      %parallel_loop3A_103 = arith.constant 3 : i32
      %parallel_loop3A_104 = vector.broadcast %parallel_loop3A_103 : i32 to vector<16xi32>
      %parallel_loop3A_105 = tpu.vector_load_idx %arg17[%parallel_loop3A_91, %parallel_loop3A_104] : memref<128x8xf32, #tpu.memory_space<vmem>>[vector<16xi32>, vector<16xi32>], vector<16xf32>,
      %parallel_loop3A_106 = arith.constant 4 : i32
      %parallel_loop3A_107 = vector.broadcast %parallel_loop3A_106 : i32 to vector<16xi32>
      %parallel_loop3A_108 = tpu.vector_load_idx %arg17[%parallel_loop3A_91, %parallel_loop3A_107] : memref<128x8xf32, #tpu.memory_space<vmem>>[vector<16xi32>, vector<16xi32>], vector<16xf32>,
      %parallel_loop3A_109 = arith.constant 5 : i32
      %parallel_loop3A_110 = vector.broadcast %parallel_loop3A_109 : i32 to vector<16xi32>
      %parallel_loop3A_111 = tpu.vector_load_idx %arg17[%parallel_loop3A_91, %parallel_loop3A_110] : memref<128x8xf32, #tpu.memory_space<vmem>>[vector<16xi32>, vector<16xi32>], vector<16xf32>,
      %parallel_loop3A_112 = arith.constant 6 : i32
      %parallel_loop3A_113 = vector.broadcast %parallel_loop3A_112 : i32 to vector<16xi32>
      %parallel_loop3A_114 = tpu.vector_load_idx %arg17[%parallel_loop3A_91, %parallel_loop3A_113] : memref<128x8xf32, #tpu.memory_space<vmem>>[vector<16xi32>, vector<16xi32>], vector<16xf32>,
      %parallel_loop3A_115 = arith.index_cast %parallel_loop3A_89 : i32 to index
      %parallel_loop3A_116 = tpu.vector_load %arg20[%parallel_loop3A_115] {strides = array<i32>} : memref<5000xf32, #tpu.memory_space<vmem>>, vector<16xf32>,
      %parallel_loop3A_117 = arith.index_cast %parallel_loop3A_89 : i32 to index
      %parallel_loop3A_118 = tpu.vector_load %arg21[%parallel_loop3A_117] {strides = array<i32>} : memref<5000xf32, #tpu.memory_space<vmem>>, vector<16xf32>,
      %parallel_loop3A_119 = arith.index_cast %parallel_loop3A_89 : i32 to index
      %parallel_loop3A_120 = tpu.vector_load %arg22[%parallel_loop3A_119] {strides = array<i32>} : memref<5000xf32, #tpu.memory_space<vmem>>, vector<16xf32>,
      %parallel_loop3A_121 = arith.index_cast %parallel_loop3A_89 : i32 to index
      %parallel_loop3A_122 = tpu.vector_load %arg23[%parallel_loop3A_121] {strides = array<i32>} : memref<5000xf32, #tpu.memory_space<vmem>>, vector<16xf32>,
      %parallel_loop3A_123 = arith.constant 0 : i32
      %parallel_loop3A_124 = vector.broadcast %parallel_loop3A_123 : i32 to vector<16xi32>
      %parallel_loop3A_125 = arith.cmpi sgt, %parallel_loop3A_93, %parallel_loop3A_124 : vector<16xi32>
      %parallel_loop3A_126 = arith.constant dense<true> : vector<16xi1>
      %parallel_loop3A_127 = arith.xori %parallel_loop3A_125, %parallel_loop3A_126 : vector<16xi1>
      %parallel_loop3A_128 = arith.constant 0.000000e+00 : f32
      %parallel_loop3A_129 = vector.broadcast %parallel_loop3A_128 : f32 to vector<16xf32>
      %parallel_loop3A_130 = arith.cmpf oeq, %parallel_loop3A_96, %parallel_loop3A_129 : vector<16xf32>
      %parallel_loop3A_131 = arith.ori %parallel_loop3A_127, %parallel_loop3A_130 : vector<16xi1>
      %parallel_loop3A_132 = arith.constant -1.000000e+00 : f32
      %parallel_loop3A_133 = vector.broadcast %parallel_loop3A_132 : f32 to vector<16xf32>
      %parallel_loop3A_134 = arith.select %parallel_loop3A_131, %parallel_loop3A_133, %parallel_loop3A_105 : vector<16xi1>, vector<16xf32>
      %parallel_loop3A_135 = arith.constant -1.000000e+00 : f32
      %parallel_loop3A_136 = vector.broadcast %parallel_loop3A_135 : f32 to vector<16xf32>
      %parallel_loop3A_137 = arith.select %parallel_loop3A_131, %parallel_loop3A_136, %parallel_loop3A_114 : vector<16xi1>, vector<16xf32>
      %parallel_loop3A_138 = arith.constant 0.000000e+00 : f32
      %parallel_loop3A_139 = vector.broadcast %parallel_loop3A_138 : f32 to vector<16xf32>
      %parallel_loop3A_140 = arith.cmpf ogt, %parallel_loop3A_134, %parallel_loop3A_139 : vector<16xf32>
      %parallel_loop3A_141 = arith.constant 0.000000e+00 : f32
      %parallel_loop3A_142 = vector.broadcast %parallel_loop3A_141 : f32 to vector<16xf32>
      %parallel_loop3A_143 = arith.cmpf ogt, %parallel_loop3A_137, %parallel_loop3A_142 : vector<16xf32>
      %parallel_loop3A_144 = arith.andi %parallel_loop3A_140, %parallel_loop3A_143 : vector<16xi1>
      %parallel_loop3A_145 = arith.constant 0.000000e+00 : f32
      %parallel_loop3A_146 = vector.broadcast %parallel_loop3A_145 : f32 to vector<16xf32>
      %parallel_loop3A_147 = arith.cmpf oeq, %parallel_loop3A_134, %parallel_loop3A_146 : vector<16xf32>
      %parallel_loop3A_148 = arith.constant 0.000000e+00 : f32
      %parallel_loop3A_149 = vector.broadcast %parallel_loop3A_148 : f32 to vector<16xf32>
      %parallel_loop3A_150 = arith.cmpf oeq, %parallel_loop3A_137, %parallel_loop3A_149 : vector<16xf32>
      %parallel_loop3A_151 = arith.ori %parallel_loop3A_147, %parallel_loop3A_150 : vector<16xi1>
      %parallel_loop3A_152 = arith.constant 0.000000e+00 : f32
      %parallel_loop3A_153 = vector.broadcast %parallel_loop3A_152 : f32 to vector<16xf32>
      %parallel_loop3A_154 = arith.cmpf olt, %parallel_loop3A_134, %parallel_loop3A_153 : vector<16xf32>
      %parallel_loop3A_155 = arith.constant 0.000000e+00 : f32
      %parallel_loop3A_156 = vector.broadcast %parallel_loop3A_155 : f32 to vector<16xf32>
      %parallel_loop3A_157 = arith.cmpf olt, %parallel_loop3A_137, %parallel_loop3A_156 : vector<16xf32>
      %parallel_loop3A_158 = arith.ori %parallel_loop3A_154, %parallel_loop3A_157 : vector<16xi1>
      %parallel_loop3A_159 = arith.constant 1.000000e+00 : f32
      %parallel_loop3A_160 = arith.constant 0.000000e+00 : f32
      %parallel_loop3A_161 = vector.broadcast %parallel_loop3A_159 : f32 to vector<16xf32>
      %parallel_loop3A_162 = vector.broadcast %parallel_loop3A_160 : f32 to vector<16xf32>
      %parallel_loop3A_163 = arith.select %parallel_loop3A_144, %parallel_loop3A_161, %parallel_loop3A_162 : vector<16xi1>, vector<16xf32>
      %parallel_loop3A_164 = arith.constant 0.000000e+00 : f32
      %parallel_loop3A_165 = vector.broadcast %parallel_loop3A_164 : f32 to vector<16xf32>
      %parallel_loop3A_166 = arith.select %parallel_loop3A_151, %parallel_loop3A_165, %parallel_loop3A_163 : vector<16xi1>, vector<16xf32>
      %parallel_loop3A_167 = arith.constant -1.000000e+00 : f32
      %parallel_loop3A_168 = vector.broadcast %parallel_loop3A_167 : f32 to vector<16xf32>
      %parallel_loop3A_169 = arith.select %parallel_loop3A_158, %parallel_loop3A_168, %parallel_loop3A_166 : vector<16xi1>, vector<16xf32>
      %parallel_loop3A_170 = arith.constant 0.000000e+00 : f32
      %parallel_loop3A_171 = vector.broadcast %parallel_loop3A_170 : f32 to vector<16xf32>
      %parallel_loop3A_172 = arith.cmpf oge, %parallel_loop3A_169, %parallel_loop3A_171 : vector<16xf32>
      %parallel_loop3A_173 = arith.constant 1.000000e+00 : f32
      %parallel_loop3A_174 = arith.constant 0.000000e+00 : f32
      %parallel_loop3A_175 = vector.broadcast %parallel_loop3A_173 : f32 to vector<16xf32>
      %parallel_loop3A_176 = vector.broadcast %parallel_loop3A_174 : f32 to vector<16xf32>
      %parallel_loop3A_177 = arith.select %parallel_loop3A_172, %parallel_loop3A_175, %parallel_loop3A_176 : vector<16xi1>, vector<16xf32>
      %parallel_loop3A_178 = arith.addf %parallel_loop3A_116, %parallel_loop3A_120 : vector<16xf32>
      %parallel_loop3A_179 = arith.constant 5.000000e-01 : f32
      %parallel_loop3A_180 = vector.broadcast %parallel_loop3A_179 : f32 to vector<16xf32>
      %parallel_loop3A_181 = arith.mulf %parallel_loop3A_178, %parallel_loop3A_180 : vector<16xf32>
      %parallel_loop3A_182 = arith.subf %parallel_loop3A_120, %parallel_loop3A_116 : vector<16xf32>
      %parallel_loop3A_183 = arith.subf %parallel_loop3A_122, %parallel_loop3A_118 : vector<16xf32>
      %parallel_loop3A_184 = arith.constant 0.000000e+00 : f32
      %parallel_loop3A_185 = vector.broadcast %parallel_loop3A_184 : f32 to vector<16xf32>
      %parallel_loop3A_186 = arith.cmpf ogt, %parallel_loop3A_182, %parallel_loop3A_185 : vector<16xf32>
      %parallel_loop3A_187 = arith.constant 0.000000e+00 : f32
      %parallel_loop3A_188 = vector.broadcast %parallel_loop3A_187 : f32 to vector<16xf32>
      %parallel_loop3A_189 = arith.cmpf ogt, %parallel_loop3A_183, %parallel_loop3A_188 : vector<16xf32>
      %parallel_loop3A_190 = arith.andi %parallel_loop3A_186, %parallel_loop3A_189 : vector<16xi1>
      %parallel_loop3A_191 = arith.constant 1.000000e+00 : f32
      %parallel_loop3A_192 = vector.broadcast %parallel_loop3A_191 : f32 to vector<16xf32>
      %parallel_loop3A_193 = arith.divf %parallel_loop3A_192, %parallel_loop3A_182 : vector<16xf32>
      %parallel_loop3A_194 = arith.constant 1.000000e+00 : f32
      %parallel_loop3A_195 = vector.broadcast %parallel_loop3A_194 : f32 to vector<16xf32>
      %parallel_loop3A_196 = arith.divf %parallel_loop3A_195, %parallel_loop3A_183 : vector<16xf32>
      %parallel_loop3A_197 = arith.subf %parallel_loop3A_102, %parallel_loop3A_118 : vector<16xf32>
      %parallel_loop3A_198 = arith.constant 0.000000e+00 : f32
      %parallel_loop3A_199 = vector.broadcast %parallel_loop3A_198 : f32 to vector<16xf32>
      %parallel_loop3A_200 = arith.cmpf ogt, %parallel_loop3A_197, %parallel_loop3A_199 : vector<16xf32>
      %parallel_loop3A_201 = arith.andi %parallel_loop3A_190, %parallel_loop3A_200 : vector<16xi1>
      %parallel_loop3A_202 = arith.mulf %parallel_loop3A_197, %parallel_loop3A_196 : vector<16xf32>
      %parallel_loop3A_203 = arith.constant 1.000000e-30 : f32
      %parallel_loop3A_204 = vector.broadcast %parallel_loop3A_203 : f32 to vector<16xf32>
      %parallel_loop3A_205 = arith.maximumf %parallel_loop3A_202, %parallel_loop3A_204 : vector<16xf32>
      %parallel_loop3A_206 = tpu.bitcast %parallel_loop3A_205 : vector<16xf32> -> vector<16xi32>
      %parallel_loop3A_207 = arith.constant 23 : i32
      %parallel_loop3A_208 = vector.broadcast %parallel_loop3A_207 : i32 to vector<16xi32>
      %parallel_loop3A_209 = arith.shrsi %parallel_loop3A_206, %parallel_loop3A_208 : vector<16xi32>
      %parallel_loop3A_210 = arith.constant 127 : i32
      %parallel_loop3A_211 = vector.broadcast %parallel_loop3A_210 : i32 to vector<16xi32>
      %parallel_loop3A_212 = arith.subi %parallel_loop3A_209, %parallel_loop3A_211 : vector<16xi32>
      %parallel_loop3A_213 = arith.constant 8388607 : i32
      %parallel_loop3A_214 = vector.broadcast %parallel_loop3A_213 : i32 to vector<16xi32>
      %parallel_loop3A_215 = arith.andi %parallel_loop3A_206, %parallel_loop3A_214 : vector<16xi32>
      %parallel_loop3A_216 = arith.constant 1065353216 : i32
      %parallel_loop3A_217 = vector.broadcast %parallel_loop3A_216 : i32 to vector<16xi32>
      %parallel_loop3A_218 = arith.ori %parallel_loop3A_215, %parallel_loop3A_217 : vector<16xi32>
      %parallel_loop3A_219 = tpu.bitcast %parallel_loop3A_218 : vector<16xi32> -> vector<16xf32>
      %parallel_loop3A_220 = arith.constant 1.41421354 : f32
      %parallel_loop3A_221 = vector.broadcast %parallel_loop3A_220 : f32 to vector<16xf32>
      %parallel_loop3A_222 = arith.cmpf ogt, %parallel_loop3A_219, %parallel_loop3A_221 : vector<16xf32>
      %parallel_loop3A_223 = arith.constant 5.000000e-01 : f32
      %parallel_loop3A_224 = vector.broadcast %parallel_loop3A_223 : f32 to vector<16xf32>
      %parallel_loop3A_225 = arith.mulf %parallel_loop3A_219, %parallel_loop3A_224 : vector<16xf32>
      %parallel_loop3A_226 = arith.select %parallel_loop3A_222, %parallel_loop3A_225, %parallel_loop3A_219 : vector<16xi1>, vector<16xf32>
      %parallel_loop3A_227 = arith.constant 1 : i32
      %parallel_loop3A_228 = arith.constant 0 : i32
      %parallel_loop3A_229 = vector.broadcast %parallel_loop3A_227 : i32 to vector<16xi32>
      %parallel_loop3A_230 = vector.broadcast %parallel_loop3A_228 : i32 to vector<16xi32>
      %parallel_loop3A_231 = arith.select %parallel_loop3A_222, %parallel_loop3A_229, %parallel_loop3A_230 : vector<16xi1>, vector<16xi32>
      %parallel_loop3A_232 = arith.addi %parallel_loop3A_212, %parallel_loop3A_231 : vector<16xi32>
      %parallel_loop3A_233 = arith.sitofp %parallel_loop3A_232 : vector<16xi32> to vector<16xf32>
      %parallel_loop3A_234 = arith.constant 1.000000e+00 : f32
      %parallel_loop3A_235 = vector.broadcast %parallel_loop3A_234 : f32 to vector<16xf32>
      %parallel_loop3A_236 = arith.subf %parallel_loop3A_226, %parallel_loop3A_235 : vector<16xf32>
      %parallel_loop3A_237 = arith.constant 1.000000e+00 : f32
      %parallel_loop3A_238 = vector.broadcast %parallel_loop3A_237 : f32 to vector<16xf32>
      %parallel_loop3A_239 = arith.addf %parallel_loop3A_226, %parallel_loop3A_238 : vector<16xf32>
      %parallel_loop3A_240 = arith.divf %parallel_loop3A_236, %parallel_loop3A_239 : vector<16xf32>
      %parallel_loop3A_241 = arith.mulf %parallel_loop3A_240, %parallel_loop3A_240 : vector<16xf32>
      %parallel_loop3A_242 = arith.constant 0.142857149 : f32
      %parallel_loop3A_243 = vector.broadcast %parallel_loop3A_242 : f32 to vector<16xf32>
      %parallel_loop3A_244 = arith.mulf %parallel_loop3A_241, %parallel_loop3A_243 : vector<16xf32>
      %parallel_loop3A_245 = arith.constant 2.000000e-01 : f32
      %parallel_loop3A_246 = vector.broadcast %parallel_loop3A_245 : f32 to vector<16xf32>
      %parallel_loop3A_247 = arith.addf %parallel_loop3A_246, %parallel_loop3A_244 : vector<16xf32>
      %parallel_loop3A_248 = arith.mulf %parallel_loop3A_241, %parallel_loop3A_247 : vector<16xf32>
      %parallel_loop3A_249 = arith.constant 0.333333343 : f32
      %parallel_loop3A_250 = vector.broadcast %parallel_loop3A_249 : f32 to vector<16xf32>
      %parallel_loop3A_251 = arith.addf %parallel_loop3A_250, %parallel_loop3A_248 : vector<16xf32>
      %parallel_loop3A_252 = arith.constant 2.000000e+00 : f32
      %parallel_loop3A_253 = vector.broadcast %parallel_loop3A_252 : f32 to vector<16xf32>
      %parallel_loop3A_254 = arith.mulf %parallel_loop3A_253, %parallel_loop3A_240 : vector<16xf32>
      %parallel_loop3A_255 = arith.mulf %parallel_loop3A_241, %parallel_loop3A_251 : vector<16xf32>
      %parallel_loop3A_256 = arith.constant 1.000000e+00 : f32
      %parallel_loop3A_257 = vector.broadcast %parallel_loop3A_256 : f32 to vector<16xf32>
      %parallel_loop3A_258 = arith.addf %parallel_loop3A_257, %parallel_loop3A_255 : vector<16xf32>
      %parallel_loop3A_259 = arith.mulf %parallel_loop3A_254, %parallel_loop3A_258 : vector<16xf32>
      %parallel_loop3A_260 = arith.constant 0.693147182 : f32
      %parallel_loop3A_261 = vector.broadcast %parallel_loop3A_260 : f32 to vector<16xf32>
      %parallel_loop3A_262 = arith.mulf %parallel_loop3A_233, %parallel_loop3A_261 : vector<16xf32>
      %parallel_loop3A_263 = arith.addf %parallel_loop3A_262, %parallel_loop3A_259 : vector<16xf32>
      %parallel_loop3A_264 = arith.constant 0.000000e+00 : f32
      %parallel_loop3A_265 = vector.broadcast %parallel_loop3A_264 : f32 to vector<16xf32>
      %parallel_loop3A_266 = arith.select %parallel_loop3A_201, %parallel_loop3A_263, %parallel_loop3A_265 : vector<16xi1>, vector<16xf32>
      %parallel_loop3A_267 = arith.subf %parallel_loop3A_99, %parallel_loop3A_181 : vector<16xf32>
      %parallel_loop3A_268 = arith.mulf %parallel_loop3A_267, %parallel_loop3A_193 : vector<16xf32>
      %parallel_loop3A_269 = arith.constant 0.000000e+00 : f32
      %parallel_loop3A_270 = vector.broadcast %parallel_loop3A_269 : f32 to vector<16xf32>
      %parallel_loop3A_271 = arith.select %parallel_loop3A_201, %parallel_loop3A_268, %parallel_loop3A_270 : vector<16xi1>, vector<16xf32>
      %parallel_loop3A_272 = arith.constant 0.000000e+00 : f32
      %parallel_loop3A_273 = vector.broadcast %parallel_loop3A_272 : f32 to vector<16xf32>
      %parallel_loop3A_274 = arith.cmpf ogt, %parallel_loop3A_105, %parallel_loop3A_273 : vector<16xf32>
      %parallel_loop3A_275 = arith.andi %parallel_loop3A_125, %parallel_loop3A_274 : vector<16xi1>
      %parallel_loop3A_276 = arith.andi %parallel_loop3A_275, %parallel_loop3A_201 : vector<16xi1>
      %parallel_loop3A_277 = arith.constant 1.000000e+00 : f32
      %parallel_loop3A_278 = arith.constant 0.000000e+00 : f32
      %parallel_loop3A_279 = vector.broadcast %parallel_loop3A_277 : f32 to vector<16xf32>
      %parallel_loop3A_280 = vector.broadcast %parallel_loop3A_278 : f32 to vector<16xf32>
      %parallel_loop3A_281 = arith.select %parallel_loop3A_276, %parallel_loop3A_279, %parallel_loop3A_280 : vector<16xi1>, vector<16xf32>
      %parallel_loop3A_282 = arith.subf %parallel_loop3A_111, %parallel_loop3A_118 : vector<16xf32>
      %parallel_loop3A_283 = arith.constant 0.000000e+00 : f32
      %parallel_loop3A_284 = vector.broadcast %parallel_loop3A_283 : f32 to vector<16xf32>
      %parallel_loop3A_285 = arith.cmpf ogt, %parallel_loop3A_282, %parallel_loop3A_284 : vector<16xf32>
      %parallel_loop3A_286 = arith.andi %parallel_loop3A_190, %parallel_loop3A_285 : vector<16xi1>
      %parallel_loop3A_287 = arith.mulf %parallel_loop3A_282, %parallel_loop3A_196 : vector<16xf32>
      %parallel_loop3A_288 = arith.constant 1.000000e-30 : f32
      %parallel_loop3A_289 = vector.broadcast %parallel_loop3A_288 : f32 to vector<16xf32>
      %parallel_loop3A_290 = arith.maximumf %parallel_loop3A_287, %parallel_loop3A_289 : vector<16xf32>
      %parallel_loop3A_291 = tpu.bitcast %parallel_loop3A_290 : vector<16xf32> -> vector<16xi32>
      %parallel_loop3A_292 = arith.constant 23 : i32
      %parallel_loop3A_293 = vector.broadcast %parallel_loop3A_292 : i32 to vector<16xi32>
      %parallel_loop3A_294 = arith.shrsi %parallel_loop3A_291, %parallel_loop3A_293 : vector<16xi32>
      %parallel_loop3A_295 = arith.constant 127 : i32
      %parallel_loop3A_296 = vector.broadcast %parallel_loop3A_295 : i32 to vector<16xi32>
      %parallel_loop3A_297 = arith.subi %parallel_loop3A_294, %parallel_loop3A_296 : vector<16xi32>
      %parallel_loop3A_298 = arith.constant 8388607 : i32
      %parallel_loop3A_299 = vector.broadcast %parallel_loop3A_298 : i32 to vector<16xi32>
      %parallel_loop3A_300 = arith.andi %parallel_loop3A_291, %parallel_loop3A_299 : vector<16xi32>
      %parallel_loop3A_301 = arith.constant 1065353216 : i32
      %parallel_loop3A_302 = vector.broadcast %parallel_loop3A_301 : i32 to vector<16xi32>
      %parallel_loop3A_303 = arith.ori %parallel_loop3A_300, %parallel_loop3A_302 : vector<16xi32>
      %parallel_loop3A_304 = tpu.bitcast %parallel_loop3A_303 : vector<16xi32> -> vector<16xf32>
      %parallel_loop3A_305 = arith.constant 1.41421354 : f32
      %parallel_loop3A_306 = vector.broadcast %parallel_loop3A_305 : f32 to vector<16xf32>
      %parallel_loop3A_307 = arith.cmpf ogt, %parallel_loop3A_304, %parallel_loop3A_306 : vector<16xf32>
      %parallel_loop3A_308 = arith.constant 5.000000e-01 : f32
      %parallel_loop3A_309 = vector.broadcast %parallel_loop3A_308 : f32 to vector<16xf32>
      %parallel_loop3A_310 = arith.mulf %parallel_loop3A_304, %parallel_loop3A_309 : vector<16xf32>
      %parallel_loop3A_311 = arith.select %parallel_loop3A_307, %parallel_loop3A_310, %parallel_loop3A_304 : vector<16xi1>, vector<16xf32>
      %parallel_loop3A_312 = arith.constant 1 : i32
      %parallel_loop3A_313 = arith.constant 0 : i32
      %parallel_loop3A_314 = vector.broadcast %parallel_loop3A_312 : i32 to vector<16xi32>
      %parallel_loop3A_315 = vector.broadcast %parallel_loop3A_313 : i32 to vector<16xi32>
      %parallel_loop3A_316 = arith.select %parallel_loop3A_307, %parallel_loop3A_314, %parallel_loop3A_315 : vector<16xi1>, vector<16xi32>
      %parallel_loop3A_317 = arith.addi %parallel_loop3A_297, %parallel_loop3A_316 : vector<16xi32>
      %parallel_loop3A_318 = arith.sitofp %parallel_loop3A_317 : vector<16xi32> to vector<16xf32>
      %parallel_loop3A_319 = arith.constant 1.000000e+00 : f32
      %parallel_loop3A_320 = vector.broadcast %parallel_loop3A_319 : f32 to vector<16xf32>
      %parallel_loop3A_321 = arith.subf %parallel_loop3A_311, %parallel_loop3A_320 : vector<16xf32>
      %parallel_loop3A_322 = arith.constant 1.000000e+00 : f32
      %parallel_loop3A_323 = vector.broadcast %parallel_loop3A_322 : f32 to vector<16xf32>
      %parallel_loop3A_324 = arith.addf %parallel_loop3A_311, %parallel_loop3A_323 : vector<16xf32>
      %parallel_loop3A_325 = arith.divf %parallel_loop3A_321, %parallel_loop3A_324 : vector<16xf32>
      %parallel_loop3A_326 = arith.mulf %parallel_loop3A_325, %parallel_loop3A_325 : vector<16xf32>
      %parallel_loop3A_327 = arith.constant 0.142857149 : f32
      %parallel_loop3A_328 = vector.broadcast %parallel_loop3A_327 : f32 to vector<16xf32>
      %parallel_loop3A_329 = arith.mulf %parallel_loop3A_326, %parallel_loop3A_328 : vector<16xf32>
      %parallel_loop3A_330 = arith.constant 2.000000e-01 : f32
      %parallel_loop3A_331 = vector.broadcast %parallel_loop3A_330 : f32 to vector<16xf32>
      %parallel_loop3A_332 = arith.addf %parallel_loop3A_331, %parallel_loop3A_329 : vector<16xf32>
      %parallel_loop3A_333 = arith.mulf %parallel_loop3A_326, %parallel_loop3A_332 : vector<16xf32>
      %parallel_loop3A_334 = arith.constant 0.333333343 : f32
      %parallel_loop3A_335 = vector.broadcast %parallel_loop3A_334 : f32 to vector<16xf32>
      %parallel_loop3A_336 = arith.addf %parallel_loop3A_335, %parallel_loop3A_333 : vector<16xf32>
      %parallel_loop3A_337 = arith.constant 2.000000e+00 : f32
      %parallel_loop3A_338 = vector.broadcast %parallel_loop3A_337 : f32 to vector<16xf32>
      %parallel_loop3A_339 = arith.mulf %parallel_loop3A_338, %parallel_loop3A_325 : vector<16xf32>
      %parallel_loop3A_340 = arith.mulf %parallel_loop3A_326, %parallel_loop3A_336 : vector<16xf32>
      %parallel_loop3A_341 = arith.constant 1.000000e+00 : f32
      %parallel_loop3A_342 = vector.broadcast %parallel_loop3A_341 : f32 to vector<16xf32>
      %parallel_loop3A_343 = arith.addf %parallel_loop3A_342, %parallel_loop3A_340 : vector<16xf32>
      %parallel_loop3A_344 = arith.mulf %parallel_loop3A_339, %parallel_loop3A_343 : vector<16xf32>
      %parallel_loop3A_345 = arith.constant 0.693147182 : f32
      %parallel_loop3A_346 = vector.broadcast %parallel_loop3A_345 : f32 to vector<16xf32>
      %parallel_loop3A_347 = arith.mulf %parallel_loop3A_318, %parallel_loop3A_346 : vector<16xf32>
      %parallel_loop3A_348 = arith.addf %parallel_loop3A_347, %parallel_loop3A_344 : vector<16xf32>
      %parallel_loop3A_349 = arith.constant 0.000000e+00 : f32
      %parallel_loop3A_350 = vector.broadcast %parallel_loop3A_349 : f32 to vector<16xf32>
      %parallel_loop3A_351 = arith.select %parallel_loop3A_286, %parallel_loop3A_348, %parallel_loop3A_350 : vector<16xi1>, vector<16xf32>
      %parallel_loop3A_352 = arith.subf %parallel_loop3A_108, %parallel_loop3A_181 : vector<16xf32>
      %parallel_loop3A_353 = arith.mulf %parallel_loop3A_352, %parallel_loop3A_193 : vector<16xf32>
      %parallel_loop3A_354 = arith.constant 0.000000e+00 : f32
      %parallel_loop3A_355 = vector.broadcast %parallel_loop3A_354 : f32 to vector<16xf32>
      %parallel_loop3A_356 = arith.select %parallel_loop3A_286, %parallel_loop3A_353, %parallel_loop3A_355 : vector<16xi1>, vector<16xf32>
      %parallel_loop3A_357 = arith.constant 0.000000e+00 : f32
      %parallel_loop3A_358 = vector.broadcast %parallel_loop3A_357 : f32 to vector<16xf32>
      %parallel_loop3A_359 = arith.cmpf ogt, %parallel_loop3A_114, %parallel_loop3A_358 : vector<16xf32>
      %parallel_loop3A_360 = arith.andi %parallel_loop3A_125, %parallel_loop3A_359 : vector<16xi1>
      %parallel_loop3A_361 = arith.andi %parallel_loop3A_360, %parallel_loop3A_286 : vector<16xi1>
      %parallel_loop3A_362 = arith.constant 1.000000e+00 : f32
      %parallel_loop3A_363 = arith.constant 0.000000e+00 : f32
      %parallel_loop3A_364 = vector.broadcast %parallel_loop3A_362 : f32 to vector<16xf32>
      %parallel_loop3A_365 = vector.broadcast %parallel_loop3A_363 : f32 to vector<16xf32>
      %parallel_loop3A_366 = arith.select %parallel_loop3A_361, %parallel_loop3A_364, %parallel_loop3A_365 : vector<16xi1>, vector<16xf32>
      %parallel_loop3A_367 = arith.index_cast %parallel_loop3A_89 : i32 to index
      %parallel_loop3A_368 = tpu.vector_load %arg24[%parallel_loop3A_367] {strides = array<i32>} : memref<5000xf32, #tpu.memory_space<vmem>>, vector<16xf32>,
      tpu.vector_store %arg24[%parallel_loop3A_367], %parallel_loop3A_169 {strides = array<i32>} : memref<5000xf32, #tpu.memory_space<vmem>>, vector<16xf32>,
      %parallel_loop3A_369 = arith.index_cast %parallel_loop3A_89 : i32 to index
      %parallel_loop3A_370 = tpu.vector_load %arg25[%parallel_loop3A_369] {strides = array<i32>} : memref<5000xf32, #tpu.memory_space<vmem>>, vector<16xf32>,
      tpu.vector_store %arg25[%parallel_loop3A_369], %parallel_loop3A_177 {strides = array<i32>} : memref<5000xf32, #tpu.memory_space<vmem>>, vector<16xf32>,
      %parallel_loop3A_371 = arith.index_cast %parallel_loop3A_89 : i32 to index
      %parallel_loop3A_372 = tpu.vector_load %arg26[%parallel_loop3A_371] {strides = array<i32>} : memref<5000xf32, #tpu.memory_space<vmem>>, vector<16xf32>,
      tpu.vector_store %arg26[%parallel_loop3A_371], %parallel_loop3A_271 {strides = array<i32>} : memref<5000xf32, #tpu.memory_space<vmem>>, vector<16xf32>,
      %parallel_loop3A_373 = arith.index_cast %parallel_loop3A_89 : i32 to index
      %parallel_loop3A_374 = tpu.vector_load %arg27[%parallel_loop3A_373] {strides = array<i32>} : memref<5000xf32, #tpu.memory_space<vmem>>, vector<16xf32>,
      tpu.vector_store %arg27[%parallel_loop3A_373], %parallel_loop3A_266 {strides = array<i32>} : memref<5000xf32, #tpu.memory_space<vmem>>, vector<16xf32>,
      %parallel_loop3A_375 = arith.index_cast %parallel_loop3A_89 : i32 to index
      %parallel_loop3A_376 = tpu.vector_load %arg28[%parallel_loop3A_375] {strides = array<i32>} : memref<5000xf32, #tpu.memory_space<vmem>>, vector<16xf32>,
      tpu.vector_store %arg28[%parallel_loop3A_375], %parallel_loop3A_356 {strides = array<i32>} : memref<5000xf32, #tpu.memory_space<vmem>>, vector<16xf32>,
      %parallel_loop3A_377 = arith.index_cast %parallel_loop3A_89 : i32 to index
      %parallel_loop3A_378 = tpu.vector_load %arg29[%parallel_loop3A_377] {strides = array<i32>} : memref<5000xf32, #tpu.memory_space<vmem>>, vector<16xf32>,
      tpu.vector_store %arg29[%parallel_loop3A_377], %parallel_loop3A_351 {strides = array<i32>} : memref<5000xf32, #tpu.memory_space<vmem>>, vector<16xf32>,
      %parallel_loop3A_379 = arith.index_cast %parallel_loop3A_89 : i32 to index
      %parallel_loop3A_380 = tpu.vector_load %arg30[%parallel_loop3A_379] {strides = array<i32>} : memref<5000xf32, #tpu.memory_space<vmem>>, vector<16xf32>,
      tpu.vector_store %arg30[%parallel_loop3A_379], %parallel_loop3A_281 {strides = array<i32>} : memref<5000xf32, #tpu.memory_space<vmem>>, vector<16xf32>,
      %parallel_loop3A_381 = arith.index_cast %parallel_loop3A_89 : i32 to index
      %parallel_loop3A_382 = tpu.vector_load %arg31[%parallel_loop3A_381] {strides = array<i32>} : memref<5000xf32, #tpu.memory_space<vmem>>, vector<16xf32>,
      tpu.vector_store %arg31[%parallel_loop3A_381], %parallel_loop3A_366 {strides = array<i32>} : memref<5000xf32, #tpu.memory_space<vmem>>, vector<16xf32>,
    } {sc.loop_unroll_factor = 8 : i64, sc.parallel_access}
    %dma_start3A_53 = tpu.memref_slice %arg9[%mul3A_2] : memref<160000xf32, #tpu.memory_space<hbm>> -> memref<5000xf32, #tpu.memory_space<hbm>>
    %dma_start3A_54 = tpu.memref_slice %arg9[%mul3A_2] : memref<160000xf32, #tpu.memory_space<hbm>> -> memref<5000xf32, #tpu.memory_space<hbm>>
    tpu.enqueue_dma source(%arg24 : memref<5000xf32, #tpu.memory_space<vmem>>) target(%dma_start3A_54 : memref<5000xf32, #tpu.memory_space<hbm>>) target_semaphore(%arg33 : memref<!tpu.dma_semaphore, #tpu.memory_space<semaphore_mem>>)
    %dma_start3A_55 = tpu.memref_slice %arg10[%mul3A_2] : memref<160000xf32, #tpu.memory_space<hbm>> -> memref<5000xf32, #tpu.memory_space<hbm>>
    %dma_start3A_56 = tpu.memref_slice %arg10[%mul3A_2] : memref<160000xf32, #tpu.memory_space<hbm>> -> memref<5000xf32, #tpu.memory_space<hbm>>
    tpu.enqueue_dma source(%arg25 : memref<5000xf32, #tpu.memory_space<vmem>>) target(%dma_start3A_56 : memref<5000xf32, #tpu.memory_space<hbm>>) target_semaphore(%arg33 : memref<!tpu.dma_semaphore, #tpu.memory_space<semaphore_mem>>)
    %dma_start3A_57 = tpu.memref_slice %arg11[%mul3A_2] : memref<160000xf32, #tpu.memory_space<hbm>> -> memref<5000xf32, #tpu.memory_space<hbm>>
    %dma_start3A_58 = tpu.memref_slice %arg11[%mul3A_2] : memref<160000xf32, #tpu.memory_space<hbm>> -> memref<5000xf32, #tpu.memory_space<hbm>>
    tpu.enqueue_dma source(%arg26 : memref<5000xf32, #tpu.memory_space<vmem>>) target(%dma_start3A_58 : memref<5000xf32, #tpu.memory_space<hbm>>) target_semaphore(%arg33 : memref<!tpu.dma_semaphore, #tpu.memory_space<semaphore_mem>>)
    %dma_start3A_59 = tpu.memref_slice %arg12[%mul3A_2] : memref<160000xf32, #tpu.memory_space<hbm>> -> memref<5000xf32, #tpu.memory_space<hbm>>
    %dma_start3A_60 = tpu.memref_slice %arg12[%mul3A_2] : memref<160000xf32, #tpu.memory_space<hbm>> -> memref<5000xf32, #tpu.memory_space<hbm>>
    tpu.enqueue_dma source(%arg27 : memref<5000xf32, #tpu.memory_space<vmem>>) target(%dma_start3A_60 : memref<5000xf32, #tpu.memory_space<hbm>>) target_semaphore(%arg33 : memref<!tpu.dma_semaphore, #tpu.memory_space<semaphore_mem>>)
    %dma_start3A_61 = tpu.memref_slice %arg13[%mul3A_2] : memref<160000xf32, #tpu.memory_space<hbm>> -> memref<5000xf32, #tpu.memory_space<hbm>>
    %dma_start3A_62 = tpu.memref_slice %arg13[%mul3A_2] : memref<160000xf32, #tpu.memory_space<hbm>> -> memref<5000xf32, #tpu.memory_space<hbm>>
    tpu.enqueue_dma source(%arg28 : memref<5000xf32, #tpu.memory_space<vmem>>) target(%dma_start3A_62 : memref<5000xf32, #tpu.memory_space<hbm>>) target_semaphore(%arg33 : memref<!tpu.dma_semaphore, #tpu.memory_space<semaphore_mem>>)
    %dma_start3A_63 = tpu.memref_slice %arg14[%mul3A_2] : memref<160000xf32, #tpu.memory_space<hbm>> -> memref<5000xf32, #tpu.memory_space<hbm>>
    %dma_start3A_64 = tpu.memref_slice %arg14[%mul3A_2] : memref<160000xf32, #tpu.memory_space<hbm>> -> memref<5000xf32, #tpu.memory_space<hbm>>
    tpu.enqueue_dma source(%arg29 : memref<5000xf32, #tpu.memory_space<vmem>>) target(%dma_start3A_64 : memref<5000xf32, #tpu.memory_space<hbm>>) target_semaphore(%arg33 : memref<!tpu.dma_semaphore, #tpu.memory_space<semaphore_mem>>)
    %dma_start3A_65 = tpu.memref_slice %arg15[%mul3A_2] : memref<160000xf32, #tpu.memory_space<hbm>> -> memref<5000xf32, #tpu.memory_space<hbm>>
    %dma_start3A_66 = tpu.memref_slice %arg15[%mul3A_2] : memref<160000xf32, #tpu.memory_space<hbm>> -> memref<5000xf32, #tpu.memory_space<hbm>>
    tpu.enqueue_dma source(%arg30 : memref<5000xf32, #tpu.memory_space<vmem>>) target(%dma_start3A_66 : memref<5000xf32, #tpu.memory_space<hbm>>) target_semaphore(%arg33 : memref<!tpu.dma_semaphore, #tpu.memory_space<semaphore_mem>>)
    %dma_start3A_67 = tpu.memref_slice %arg16[%mul3A_2] : memref<160000xf32, #tpu.memory_space<hbm>> -> memref<5000xf32, #tpu.memory_space<hbm>>
    %dma_start3A_68 = tpu.memref_slice %arg16[%mul3A_2] : memref<160000xf32, #tpu.memory_space<hbm>> -> memref<5000xf32, #tpu.memory_space<hbm>>
    tpu.enqueue_dma source(%arg31 : memref<5000xf32, #tpu.memory_space<vmem>>) target(%dma_start3A_68 : memref<5000xf32, #tpu.memory_space<hbm>>) target_semaphore(%arg33 : memref<!tpu.dma_semaphore, #tpu.memory_space<semaphore_mem>>)
    %dma_wait3A_69 = tpu.memref_slice %arg9[%mul3A_2] : memref<160000xf32, #tpu.memory_space<hbm>> -> memref<5000xf32, #tpu.memory_space<hbm>>
    %dma_wait3A_70 = tpu.memref_slice %arg9[%mul3A_2] : memref<160000xf32, #tpu.memory_space<hbm>> -> memref<5000xf32, #tpu.memory_space<hbm>>
    tpu.wait_dma2 semaphore(%arg33 : memref<!tpu.dma_semaphore, #tpu.memory_space<semaphore_mem>>) src(%arg24 : memref<5000xf32, #tpu.memory_space<vmem>>) dst(%dma_wait3A_70 : memref<5000xf32, #tpu.memory_space<hbm>>)
    %dma_wait3A_71 = tpu.memref_slice %arg10[%mul3A_2] : memref<160000xf32, #tpu.memory_space<hbm>> -> memref<5000xf32, #tpu.memory_space<hbm>>
    %dma_wait3A_72 = tpu.memref_slice %arg10[%mul3A_2] : memref<160000xf32, #tpu.memory_space<hbm>> -> memref<5000xf32, #tpu.memory_space<hbm>>
    tpu.wait_dma2 semaphore(%arg33 : memref<!tpu.dma_semaphore, #tpu.memory_space<semaphore_mem>>) src(%arg25 : memref<5000xf32, #tpu.memory_space<vmem>>) dst(%dma_wait3A_72 : memref<5000xf32, #tpu.memory_space<hbm>>)
    %dma_wait3A_73 = tpu.memref_slice %arg11[%mul3A_2] : memref<160000xf32, #tpu.memory_space<hbm>> -> memref<5000xf32, #tpu.memory_space<hbm>>
    %dma_wait3A_74 = tpu.memref_slice %arg11[%mul3A_2] : memref<160000xf32, #tpu.memory_space<hbm>> -> memref<5000xf32, #tpu.memory_space<hbm>>
    tpu.wait_dma2 semaphore(%arg33 : memref<!tpu.dma_semaphore, #tpu.memory_space<semaphore_mem>>) src(%arg26 : memref<5000xf32, #tpu.memory_space<vmem>>) dst(%dma_wait3A_74 : memref<5000xf32, #tpu.memory_space<hbm>>)
    %dma_wait3A_75 = tpu.memref_slice %arg12[%mul3A_2] : memref<160000xf32, #tpu.memory_space<hbm>> -> memref<5000xf32, #tpu.memory_space<hbm>>
    %dma_wait3A_76 = tpu.memref_slice %arg12[%mul3A_2] : memref<160000xf32, #tpu.memory_space<hbm>> -> memref<5000xf32, #tpu.memory_space<hbm>>
    tpu.wait_dma2 semaphore(%arg33 : memref<!tpu.dma_semaphore, #tpu.memory_space<semaphore_mem>>) src(%arg27 : memref<5000xf32, #tpu.memory_space<vmem>>) dst(%dma_wait3A_76 : memref<5000xf32, #tpu.memory_space<hbm>>)
    %dma_wait3A_77 = tpu.memref_slice %arg13[%mul3A_2] : memref<160000xf32, #tpu.memory_space<hbm>> -> memref<5000xf32, #tpu.memory_space<hbm>>
    %dma_wait3A_78 = tpu.memref_slice %arg13[%mul3A_2] : memref<160000xf32, #tpu.memory_space<hbm>> -> memref<5000xf32, #tpu.memory_space<hbm>>
    tpu.wait_dma2 semaphore(%arg33 : memref<!tpu.dma_semaphore, #tpu.memory_space<semaphore_mem>>) src(%arg28 : memref<5000xf32, #tpu.memory_space<vmem>>) dst(%dma_wait3A_78 : memref<5000xf32, #tpu.memory_space<hbm>>)
    %dma_wait3A_79 = tpu.memref_slice %arg14[%mul3A_2] : memref<160000xf32, #tpu.memory_space<hbm>> -> memref<5000xf32, #tpu.memory_space<hbm>>
    %dma_wait3A_80 = tpu.memref_slice %arg14[%mul3A_2] : memref<160000xf32, #tpu.memory_space<hbm>> -> memref<5000xf32, #tpu.memory_space<hbm>>
    tpu.wait_dma2 semaphore(%arg33 : memref<!tpu.dma_semaphore, #tpu.memory_space<semaphore_mem>>) src(%arg29 : memref<5000xf32, #tpu.memory_space<vmem>>) dst(%dma_wait3A_80 : memref<5000xf32, #tpu.memory_space<hbm>>)
    %dma_wait3A_81 = tpu.memref_slice %arg15[%mul3A_2] : memref<160000xf32, #tpu.memory_space<hbm>> -> memref<5000xf32, #tpu.memory_space<hbm>>
    %dma_wait3A_82 = tpu.memref_slice %arg15[%mul3A_2] : memref<160000xf32, #tpu.memory_space<hbm>> -> memref<5000xf32, #tpu.memory_space<hbm>>
    tpu.wait_dma2 semaphore(%arg33 : memref<!tpu.dma_semaphore, #tpu.memory_space<semaphore_mem>>) src(%arg30 : memref<5000xf32, #tpu.memory_space<vmem>>) dst(%dma_wait3A_82 : memref<5000xf32, #tpu.memory_space<hbm>>)
    %dma_wait3A_83 = tpu.memref_slice %arg16[%mul3A_2] : memref<160000xf32, #tpu.memory_space<hbm>> -> memref<5000xf32, #tpu.memory_space<hbm>>
    %dma_wait3A_84 = tpu.memref_slice %arg16[%mul3A_2] : memref<160000xf32, #tpu.memory_space<hbm>> -> memref<5000xf32, #tpu.memory_space<hbm>>
    tpu.wait_dma2 semaphore(%arg33 : memref<!tpu.dma_semaphore, #tpu.memory_space<semaphore_mem>>) src(%arg31 : memref<5000xf32, #tpu.memory_space<vmem>>) dst(%dma_wait3A_84 : memref<5000xf32, #tpu.memory_space<hbm>>)
    return
  }
}

</mosaic_0001>

<sc_bundles>
// kernel: kernel.3.cloned.1.call-start
scs
__scs_entry_jumppad:
0x0: {  	(pc) =	sbr.rel $0x88, $3  }
0x1: {  	(tag) =	ssettag $0x0;
	lr =	simm.s32 $0x1  }
0x2: {  	[smem:$0x3F9C] =	sst lr;
	_ =	strace $0xD0000000  }
0x3: {  	_ = 	snop  }
0x4: {  	_ = 	snop  }
0x5: {  	_ = 	snop  }
0x6: {  	_ = 	snop  }
0x7: {  	_ = 	snop  }
__scs_overlays_trampoline_lowered:
0x8: {  	[smem:$0x3FAB] =	sst s0  }
0x9: {  	[smem:$0x3FAC] =	sst s1  }
0xa: {  	[smem:$0x3FAD] =	sst s2  }
0xb: {  	[smem:$0x3FAE] =	sst s3  }
0xc: {  	[smem:$0x3FAF] =	sst s4  }
0xd: {  	[smem:$0x3FB0] =	sst s5  }
0xe: {  	[smem:$0x3FB1] =	sst s6  }
0xf: {  	[smem:$0x3FB2] =	sst s7  }
0x10: {  	[smem:$0x3FB3] =	sst s8  }
0x11: {  	[smem:$0x3FB4] =	sst s9;
	s0 =	simm.s32 @!p0 $0x0  }
0x12: {  	s1 =	sld [smem:$0x3F9A];
	s0 =	simm.s32 @p0 $0x1  }
0x13: {  	[smem:$0x3FB5] =	sst s0;
	s0 =	simm.s32 @!p1 $0x0  }
0x14: {  	s2 =	sld [smem:$0x3F99];
	s0 =	simm.s32 @p1 $0x1  }
0x15: {  	[smem:$0x3FB6] =	sst s0;
	s0 =	simm.s32 @!p2 $0x0  }
0x16: {  	s3 =	sld [smem:$0x3FDB];
	s0 =	simm.s32 @p2 $0x1  }
0x17: {  	s4 =	simm.s32 $0x1BF5;
	[smem:$0x3FB8] =	sst s0  }
0x18: {  	s0 =	sld [smem:$0x3F9B];
	_ =	swait.ge [sflag:s4], $0x0  }
0x19: {  	s7 =	sld [smem:$0x3F9C]  }
0x1a: {  	s8 =	sadd.s32 $0xFFFFE003, lr  }
0x1b: {  	s9 =	sadd.s32 $0xFFFFFEF7, lr;
	s5 =	simm.s32 $0xFFFFFFFF;
	p2 =	slt.u32 s8, $0xFFFFF086  }
0x1c: {  	p1 =	slt.u32 s9, $0xF7A;
	s5 =	simm.s32 @!p2 $0x0  }
0x1d: {  	s5 =	simm.s32 @p1 $0x1;
	p0 =	seq.s32 s7, s2  }
0x1e: {  	s7 =	smul.u32 @!p0 $0xF7A, s2;
	p2 =	seq.s32 @!p0 s5, $0x0  }
0x1f: {  	s9 =	smul.u32 $0xF7A, s1;
	s8 =	simm.s32 @!p0 $0x1BF5;
	p2 =	por !p2, p0  }
0x20: {  	[sflag:s8] =	ssyncset.s32 @!p0 $0xFFFFF086;
	s6 =	sadd.s32 @!p0 s3, s7;
	s7 =	simm.s32 @!p0 $0x108  }
0x21: {  	s3 =	sadd.s32 s3, s9;
	s6 =	sadd.s32 @!p0 $0x88, s6;
	s7 =	simm.s32 @p2 $0x1082  }
0x22: {  	[simem:s7], [sflag:s8] =	dma.local @!p0 [hbm:s6], $0xF7A  }
0x23: {  	s9 =	sor.u32 $0xD0000000, s2;
	s6 =	simm.s32 $0x108;
	_ =	swait.ge @!p0 [sflag:s8], $0x0  }
0x24: {  	s3 =	sadd.s32 $0x88, s3;
	s6 =	simm.s32 @!p1 $0x1082;
	[sflag:s4] =	ssyncset.s32 $0xFFFFF086  }
0x25: {  	[simem:s6], [sflag:s4] =	dma.local [hbm:s3], $0xF7A  }
0x26: {  	[smem:$0x3F9C] =	sst s1;
	(tag) =	ssettag s2;
	_ =	strace s9  }
0x27: {  	s1 =	sld [smem:$0x3FAC]  }
0x28: {  	s2 =	sld [smem:$0x3FAD]  }
0x29: {  	s4 =	sld [smem:$0x3FAF]  }
0x2a: {  	p0 =	seq.s32 s5, $0x0;
	s5 =	sld [smem:$0x3FB0]  }
0x2b: {  	s6 =	sld [smem:$0x3FB1]  }
0x2c: {  	s7 =	sld [smem:$0x3FB2]  }
0x2d: {  	s3 =	simm.s32 $0x108;
	s8 =	sld [smem:$0x3FB3]  }
0x2e: {  	s3 =	simm.s32 @!p0 $0x1082;
	s9 =	sld [smem:$0x3FB4]  }
0x2f: {  	lr =	sadd.s32 s0, s3;
	s0 =	sld [smem:$0x3FAB]  }
0x30: {  	s3 =	sld [smem:$0x3FAE]  }
0x31: {  	[smem:$0x3FB7] =	sst s10  }
0x32: {  	s10 =	sld [smem:$0x3FB5];
	_ =	sdelay $0x3  }
0x33: {  	p0 =	seq.s32 s10, $0x1;
	s10 =	sld [smem:$0x3FB7];
	_ =	sdelay $0x3  }
0x34: {  	[smem:$0x3FB7] =	sst s10  }
0x35: {  	s10 =	sld [smem:$0x3FB6];
	_ =	sdelay $0x3  }
0x36: {  	p1 =	seq.s32 s10, $0x1;
	s10 =	sld [smem:$0x3FB7];
	_ =	sdelay $0x3  }
0x37: {  	[smem:$0x3FB7] =	sst s10  }
0x38: {  	s10 =	sld [smem:$0x3FB8]  }
0x39: {  	_ = 	snop;
	(pc) =	sbr.ind lr, $3  }
0x3a: {  	_ = 	snop  }
0x3b: {  	_ = 	snop  }
0x3c: {  	p2 =	seq.s32 s10, $0x1;
	s10 =	sld [smem:$0x3FB7]  }
0x3d: {  	_ =	shalt  }
0x3e: {  	_ =	shalt  }
0x3f: {  	_ =	shalt  }
0x40: {  	_ =	shalt  }
0x41: {  	_ =	shalt  }
0x42: {  	_ =	shalt  }
0x43: {  	_ =	shalt  }
0x44: {  	_ =	shalt  }
0x45: {  	_ =	shalt  }
0x46: {  	_ =	shalt  }
0x47: {  	_ =	shalt  }
0x48: {  	_ =	shalt  }
0x49: {  	_ =	shalt  }
0x4a: {  	_ =	shalt  }
0x4b: {  	_ =	shalt  }
0x4c: {  	_ =	shalt  }
0x4d: {  	_ =	shalt  }
0x4e: {  	_ =	shalt  }
0x4f: {  	_ =	shalt  }
0x50: {  	_ =	shalt  }
0x51: {  	_ =	shalt  }
0x52: {  	_ =	shalt  }
0x53: {  	_ =	shalt  }
0x54: {  	_ =	shalt  }
0x55: {  	_ =	shalt  }
0x56: {  	_ =	shalt  }
0x57: {  	_ =	shalt  }
0x58: {  	_ =	shalt  }
0x59: {  	_ =	shalt  }
0x5a: {  	_ =	shalt  }
0x5b: {  	_ =	shalt  }
0x5c: {  	_ =	shalt  }
0x5d: {  	_ =	shalt  }
0x5e: {  	_ =	shalt  }
0x5f: {  	_ =	shalt  }
0x60: {  	_ =	shalt  }
0x61: {  	_ =	shalt  }
0x62: {  	_ =	shalt  }
0x63: {  	_ =	shalt  }
0x64: {  	_ =	shalt  }
0x65: {  	_ =	shalt  }
0x66: {  	_ =	shalt  }
0x67: {  	_ =	shalt  }
0x68: {  	_ =	shalt  }
0x69: {  	_ =	shalt  }
0x6a: {  	_ =	shalt  }
0x6b: {  	_ =	shalt  }
0x6c: {  	_ =	shalt  }
0x6d: {  	_ =	shalt  }
0x6e: {  	_ =	shalt  }
0x6f: {  	_ =	shalt  }
0x70: {  	_ =	shalt  }
0x71: {  	_ =	shalt  }
0x72: {  	_ =	shalt  }
0x73: {  	_ =	shalt  }
0x74: {  	_ =	shalt  }
0x75: {  	_ =	shalt  }
0x76: {  	_ =	shalt  }
0x77: {  	_ =	shalt  }
0x78: {  	_ =	shalt  }
0x79: {  	_ =	shalt  }
0x7a: {  	_ =	shalt  }
0x7b: {  	_ =	shalt  }
0x7c: {  	_ =	shalt  }
0x7d: {  	_ =	shalt  }
0x7e: {  	_ =	shalt  }
0x7f: {  	_ =	shalt  }
0x80: {  	_ =	shalt  }
0x81: {  	_ =	shalt  }
0x82: {  	_ =	shalt  }
0x83: {  	_ =	shalt  }
0x84: {  	_ =	shalt  }
0x85: {  	_ =	shalt  }
0x86: {  	_ =	shalt  }
0x87: {  	_ =	shalt  }
.Lfunc_end0:
.L_simem_size_0:
called_computation_lowered:
.L_overlay_start_0:
0x88: {  	s2 =	sld [smem:$0x3FD9]  }
0x89: {  	s3 =	sld [smem:$0x3FFE];
	_ =	sdelay $0x1  }
0x8a: {  	s1 =	srdreg.scid  }
0x8b: {  	s0 =	sand.u32 $0x1, s1  }
0x8c: {  	s14 =	sshll.u32 s0, $0xA;
	s2 =	sadd.s32 s3, s2  }
0x8d: {  	s2 =	sadd.s32 s2, s14  }
0x8e: {  	[smem:$0x3FC3] =	sst s2  }
0x8f: {  	_ = 	snop  }
0x90: {  	s2 =	sld [smem:$0x3FD0];
	_ =	sdelay $0x2  }
0x91: {  	s15 =	simm.s32 $0xA;
	s4 =	simm.s32 $0x10  }
0x92: {  	[smem:s4], [sflag:s15] =	dma.local [hbm:s2], $0x1  }
0x93: {  	_ =	swait.eq [sflag:s15], $0x1  }
0x94: {  	s16 =	sld [smem:$0x10]  }
0x95: {  	s17 =	sld [smem:$0x11];
	[sflag:s15] =	ssyncset.done $0x0  }
0x96: {  	s5 =	sld [smem:$0x12];
	[sflag:s15] =	ssyncadd.s32 $0xFFFFFFFF  }
0x97: {  	s18 =	sld [smem:$0x13];
	(tm) =	ssettm $0x1  }
0x98: {  	s6 =	sld [smem:$0x3FFB];
	_ =	sdelay $0x3  }
0x99: {  	_ =	strace s6  }
0x9a: {  	s6 =	sld [smem:$0x3FFC];
	_ =	sdelay $0x3  }
0x9b: {  	_ =	strace s6  }
0x9c: {  	s6 =	sld [smem:$0x3FFD];
	_ =	sdelay $0x3  }
0x9d: {  	_ =	strace s6  }
0x9e: {  	_ =	strace $0x8FFFFFFF  }
0x9f: {  	s19 =	sld [smem:$0x3FDB];
	_ =	sdelay $0x1  }
0xa0: {  	s7 =	simm.s32 $_scs_section_size  }
0xa1: {  	s8 =	simm.s32 $_size__tile_overlayer_lowered;
	s9 =	simm.s32 $_tile_overlayer_lowered  }
0xa2: {  	s22 =	simm.s32 $0x1BFF;
	s21 =	sshll.u32 s9, $0x1;
	s6 =	sadd.s32 s7, s19  }
0xa3: {  	s10 =	simm.s32 $0x0;
	s20 =	sshll.u32 s8, $0x1;
	s8 =	sadd.s32 s21, s6  }
0xa4: {  	[timem:s10], [sflag:s22] =	dma.local [hbm:s8], s20  }
0xa5: {  	_ =	swait.ge [sflag:s22], s20  }
0xa6: {  	s7 =	ssub.s32 $0x0, s20;
	[sflag:s22] =	ssyncset.done $0x0  }
0xa7: {  	[sflag:s22] =	ssyncadd.s32 s7;
	_ =	sdelay $0x1  }
0xa8: {  	s23 =	simm.s32 $0x1B8B  }
0xa9: {  	_ =	swait.ge [sflag:s23], $0x1  }
0xaa: {  	[sflag:s23] =	ssyncset.done $0x0  }
0xab: {  	s25 =	simm.s32 $0x1B8E;
	s24 =	sld [smem:$0x3FFE];
	[sflag:s23] =	ssyncadd.s32 $0xFFFFFFFF  }
0xac: {  	s26 =	simm.s32 $execute0_lowered;
	[smem:$0x3FD2] =	sst s25  }
0xad: {  	s8 =	sshll.u32 s26, $0x1;
	_ =	strace $0x80000046;
	[dreg:$0x1] =	wrdreg $0xFFFFFFFF  }
0xae: {  	s28 =	simm.s32 $_size_execute0_lowered;
	s6 =	sadd.s32 s6, s8;
	[dreg:$0x0] =	wrdreg $0x0  }
0xaf: {  	s8 =	sshll.u32 s28, $0x1;
	[dreg:$0x2] =	wrdreg s6  }
0xb0: {  	[dreg:$0x3] =	wrdreg s8  }
0xb1: {  	[dreg:$0x4] =	wrdreg $0xC0  }
0xb2: {  	_ =	task [dreg:s10], $0x5FFFF  }
0xb3: {  	[dreg:$0x1] =	wrdreg $0xFFFFFFFF  }
0xb4: {  	[dreg:$0x0] =	wrdreg $0x60  }
0xb5: {  	[dreg:$0x2] =	wrdreg s18  }
0xb6: {  	[dreg:$0x3] =	wrdreg s17  }
0xb7: {  	[dreg:$0x4] =	wrdreg s16  }
0xb8: {  	[dreg:$0x5] =	wrdreg s5  }
0xb9: {  	[dreg:$0x6] =	wrdreg s24  }
0xba: {  	[dreg:$0x7] =	wrdreg $0x9  }
0xbb: {  	_ =	task.clear_ibuf [dreg:s10], $0x8FFFF;
	_ =	strace $0x90000046  }
0xbc: {  	s29 =	simm.s32 $0x9;
	_ =	strace $0x80000048  }
0xbd: {  	_ =	swait.ge [sflag:s29], $0x1  }
0xbe: {  	[sflag:s29] =	ssyncadd.s32 $0xFFFFFFFF  }
0xbf: {  	_ =	strace $0x90000048  }
0xc0: {  	_ =	sfence  }
0xc1: {  	s30 =	sld [smem:$0x0];
	_ =	sdelay $0x2  }
0xc2: {  	s31 =	sshll.u32 s1, $0xD;
	s1 =	sshrl.u32 s1, $0x2  }
0xc3: {  	s3 =	sand.u32 $0x4000, s31;
	s1 =	sadd.s32 s1, s30  }
0xc4: {  	s0 =	sor.u32 s3, s0;
	s1 =	sshll.u32 s1, $0x11  }
0xc5: {  	s0 =	sor.u32 s1, s0  }
0xc6: {  	s0 =	sadd.s32 $0x8F2B, s0  }
0xc7: {  	[sflag:s0] =	ssyncadd.remote.s32 $0x1  }
0xc8: {  	_ =	sfence.sel $0xFFFF  }
0xc9: {  	[dreg:$0x0] =	wrdreg $0xFFFFFFFF;
	(pc) =	sbr.abs _section_cstart, $3  }
0xca: {  	[dreg:$0x1] =	wrdreg $0xFFFFFFFF  }
0xcb: {  	_ =	task.clear_ibuf [dreg:s10], $0x2FFFF;
	_ =	strace $0x9FFFFFFF  }
0xcc: {  	(tm) =	ssettm $0x7FFFFFFF  }
0xcd: {  	_ =	shalt  }
tec
execute0_lowered:
.L_overlay_start_1:
0x0: {  	(tag) =	ssettag $0x1  }
0x1: {  	s0 =	rddreg [dreg:$0x0]  }
0x2: {  	s1 =	rddreg [dreg:$0x1]  }
0x3: {  	s8 =	rddreg [dreg:$0x2]  }
0x4: {  	s9 =	rddreg [dreg:$0x3]  }
0x5: {  	s3 =	rddreg [dreg:$0x4];
	s6 =	stileid.u32  }
0x6: {  	s4 =	srdreg.scid;
	s2 =	simm.s32 $0x0;
	s28 =	simm.s32 $0x8CB8  }
0x7: {  	s29 =	simm.s32 $0xA040;
	s30 =	simm.s32 $0xB3C8;
	s31 =	simm.s32 $0xC750  }
0x8: {  	s19 =	simm.s32 $0x101E8;
	s20 =	simm.s32 $0x2;
	s21 =	simm.s32 $0x0  }
0x9: {  	s4 =	sand.u32 $0x1, s4;
	s5 =	sshll.u32 s6, $0x1;
	[smem:$0x7FF] =	sst s2  }
0xa: {  	s6 =	sshll.u32 s6, $0x6;
	s5 =	sor.u32 s4, s5;
	s4 =	ssub.s32 $0x2, s4  }
0xb: {  	_ =	strace $0x80000047;
	s25 =	sand.u32 $0x380, s6;
	s10 =	smul.u32 $0x271, s5  }
0xc: {  	s26 =	sshrl.u32 s4, $0x1;
	s5 =	sadd.s32 s25, s3;
	s25 =	simm.s32 $0x1  }
0xd: {  	s18 =	ssub.s32 s4, s26;
	s26 =	simm.s32 $0x7930;
	s17 =	sadd.s32 s10, s3  }
0xe: {  	s3 =	sadd.s32 $0xC00, s5;
	s6 =	sadd.s32 s0, s10;
	s7 =	sadd.s32 s1, s10  }
0xf: {  	s8 =	sadd.s32 s8, s10;
	s9 =	sadd.s32 s9, s10;
	s18 =	smax.u32 s18, $0x1  }
0x10: {  	s0 =	simm.s32 $0xDAD8;
	s1 =	simm.s32 $0xEE60;
	s4 =	sadd.s32 $0x6000, s17  }
0x11: {  	s5 =	sadd.s32 $0x1000, s17;
	s10 =	sadd.s32 $0xB000, s17;
	s11 =	sadd.s32 $0x10000, s17  }
0x12: {  	s12 =	sadd.s32 $0x1F000, s17;
	s13 =	sadd.s32 $0x24000, s17;
	s14 =	sadd.s32 $0x29000, s17  }
0x13: {  	v30 =	vimm.f32 $0.0e+00;
	v28 =	vimm.f32 $1.000000000e+00;
	v29 =	vimm.s32 $0x0;
	s15 =	sadd.s32 $0x2E000, s17;
	s16 =	sadd.s32 $0x15000, s17;
	s17 =	sadd.s32 $0x1A000, s17  }
.LBB2_1:
0x14: {  	[tilespmem:s2], [sflag:$0x1] =	stream.linear.gather [hbm4b:s3+s2], $0x400, $0x38;
	[tilespmem:$0x11570] =	vst v63  }
0x15: {  	s22 =	simm.s32 $0x400  }
0x16: {  	[tilespmem:s22], [sflag:$0x1] =	stream.linear.gather [hbm4b:s4+s2], $0x1388, $0x38;
	[tilespmem:$0x11570] =	vst v63  }
0x17: {  	s24 =	simm.s32 $0x1788  }
0x18: {  	[tilespmem:s24], [sflag:$0x1] =	stream.linear.gather [hbm4b:s5+s2], $0x1388, $0x38;
	[tilespmem:$0x11570] =	vst v63  }
0x19: {  	s23 =	simm.s32 $0x2B10  }
0x1a: {  	[tilespmem:s23], [sflag:$0x1] =	stream.linear.gather [hbm4b:s6+s2], $0x1388, $0x38;
	[tilespmem:$0x11570] =	vst v63  }
0x1b: {  	s24 =	simm.s32 $0x3E98  }
0x1c: {  	[tilespmem:s24], [sflag:$0x1] =	stream.linear.gather [hbm4b:s7+s2], $0x1388, $0x38;
	[tilespmem:$0x11570] =	vst v63  }
0x1d: {  	s23 =	simm.s32 $0x5220  }
0x1e: {  	[tilespmem:s23], [sflag:$0x1] =	stream.linear.gather [hbm4b:s8+s2], $0x1388, $0x38;
	[tilespmem:$0x11570] =	vst v63  }
0x1f: {  	s24 =	simm.s32 $0x65A8  }
0x20: {  	[tilespmem:s24], [sflag:$0x1] =	stream.linear.gather [hbm4b:s9+s2], $0x1388, $0x38;
	[tilespmem:$0x11570] =	vst v63  }
0x21: {  	_ =	swait.ge [sflag:s25], $0x400  }
0x22: {  	[sflag:s25] =	ssyncset.done $0x0  }
0x23: {  	[sflag:s25] =	ssyncadd.s32 $0xFFFFFC00  }
0x24: {  	_ =	swait.ge [sflag:s25], $0x1388  }
0x25: {  	[sflag:s25] =	ssyncset.done $0x0  }
0x26: {  	[sflag:s25] =	ssyncadd.s32 $0xFFFFEC78  }
0x27: {  	_ =	swait.ge [sflag:s25], $0x1388  }
0x28: {  	[sflag:s25] =	ssyncset.done $0x0  }
0x29: {  	[sflag:s25] =	ssyncadd.s32 $0xFFFFEC78  }
0x2a: {  	_ =	swait.ge [sflag:s25], $0x1388  }
0x2b: {  	[sflag:s25] =	ssyncset.done $0x0  }
0x2c: {  	[sflag:s25] =	ssyncadd.s32 $0xFFFFEC78  }
0x2d: {  	_ =	swait.ge [sflag:s25], $0x1388  }
0x2e: {  	[sflag:s25] =	ssyncset.done $0x0  }
0x2f: {  	[sflag:s25] =	ssyncadd.s32 $0xFFFFEC78  }
0x30: {  	_ =	swait.ge [sflag:s25], $0x1388  }
0x31: {  	[sflag:s25] =	ssyncset.done $0x0  }
0x32: {  	[sflag:s25] =	ssyncadd.s32 $0xFFFFEC78  }
0x33: {  	_ =	swait.ge [sflag:s25], $0x1388  }
0x34: {  	[sflag:s25] =	ssyncset.done $0x0  }
0x35: {  	s22 =	simm.s32 $0xFFFFFFF8;
	s23 =	simm.s32 $0x0;
	[sflag:s25] =	ssyncadd.s32 $0xFFFFEC78  }
.LBB2_2:
0x36: {  	s24 =	sshra.s32 s23, $0x2  }
0x37: {  	v3 =	vld [tilespmem:s24+$0x400]  }
0x38: {  	v5 =	vld [tilespmem:s24+$0x2B10]  }
0x39: {  	v4 =	vld [tilespmem:s24+$0x3E98]  }
0x3a: {  	v6 =	vld [tilespmem:s24+$0x5220]  }
0x3b: {  	v7 =	vld [tilespmem:s24+$0x65A8];
	_ =	sdelay $0x3  }
0x3c: {  	v3 =	vshll.u32 v3, $0x3;
	v9 =	vsub.f32 v6, v5  }
0x3d: {  	v7 =	vsub.f32 v7, v4;
	v8 =	vor.u32 $0x2, v3  }
0x3e: {  	(erf) = vrcp.f32 v9  }
0x3f: {  	(erf) = vrcp.f32 v7;
	_ =	sdelay $0x2  }
0x40: {  	v10 =	vld.idx.msk [tilespmem:v8+s2+$0x0], $0xffff;
	_ =	sdelay $0x2  }
0x41: {  	v13 =	vor.u32 $0x5, v3;
	_ =	sdelay $0x1  }
0x42: {  	v42 =	vld [tilespmem:s24+$0x1788];
	v36 =	vpop (erf);
	v10 =	vsub.f32 v10, v4  }
0x43: {  	v45 =	vld [tilespmem:s24+$0x410];
	v11 =	vpop (erf)  }
0x44: {  	v12 =	vmul.f32 v11, v10  }
0x45: {  	v15 =	vor.u32 $0x3, v3;
	v13 =	vld.idx.msk [tilespmem:v13+s2+$0x0], $0xffff  }
0x46: {  	v17 =	vor.u32 $0x6, v3;
	v16 =	vmax.f32 v12, $1.000000000e-30  }
0x47: {  	v0 =	vimm.s32 $0x0;
	vm0 =	vgt.s32 v42, $0x0;
	v43 =	vld.idx.msk [tilespmem:v3+s2+$0x0], $0xffff;
	v12 =	vand.u32 $0x7FFFFF, v16  }
0x48: {  	v23 =	vld [tilespmem:s24+$0x3EA8];
	v51 =	vshll.u32 v45, $0x3;
	v5 =	vadd.f32 v6, v5;
	v12 =	vor.u32 $0x3F800000, v12  }
0x49: {  	v49 =	vld [tilespmem:s24+$0x65B8];
	v27 =	vor.u32 $0x2, v51;
	v53 =	vor.u32 $0x1, v3;
	v14 =	vmul.f32 $5.000000000e-01, v12  }
0x4a: {  	v62 =	vor.u32 $0x5, v51;
	v20 =	vld.idx.msk [tilespmem:v15+s2+$0x0], $0xffff;
	v19 =	vsub.f32 v13, v4;
	vm2 =	vgt.f32 v12, $1.414213540e+00  }
0x4b: {  	v31 =	vor.u32 $0x6, v51;
	v33 =	vor.u32 $0x1, v51;
	v21 =	vld.idx.msk [tilespmem:v17+s2+$0x0], $0xffff;
	v12 =	vsel vm2, v14, v12  }
0x4c: {  	vm3 =	vne.f32 v43, $0.0e+00;
	v11 =	vmul.f32 v11, v19;
	v14 =	vadd.f32 $1.000000000e+00, v12  }
0x4d: {  	vm9 =	vgt.f32 v9, $0.0e+00;
	vm10 =	vgt.f32 v7, $0.0e+00;
	vm3 =	vmand vm0, vm3  }
0x4e: {  	v13 =	vsub.f32 v49, v23;
	v44 =	vmax.f32 v11, $1.000000000e-30;
	(erf) = vrcp.f32 v14  }
0x4f: {  	v43 =	vld.idx.msk [tilespmem:v51+s2+$0x0], $0xffff;
	vm12 =	vgt.f32 v20, $0.0e+00;
	v49 =	vimm.f32 $0.0e+00;
	v11 =	vand.u32 $0x7FFFFF, v44  }
0x50: {  	v50 =	vnsel vm3, $0xBF800000, v20;
	v25 =	vnsel vm3, $0xBF800000, v21;
	v46 =	vor.u32 $0x3F800000, v11;
	v11 =	vld [tilespmem:s24+$0x2B20]  }
0x51: {  	vm4 =	vgt.f32 v50, $0.0e+00;
	vm14 =	vgt.f32 v25, $0.0e+00;
	v18 =	vadd.f32 $-1.000000000e+00, v12;
	v12 =	vld [tilespmem:s24+$0x5230]  }
0x52: {  	vm15 =	vlt.f32 v50, $0.0e+00;
	vm5 =	vlt.f32 v25, $0.0e+00;
	v22 =	vmul.f32 $5.000000000e-01, v46  }
0x53: {  	vm11 =	vgt.f32 v10, $0.0e+00;
	vm13 =	vmneg vm4;
	vm1 =	vgt.f32 v46, $1.414213540e+00  }
0x54: {  	vm4 =	vmneg vm14;
	vm14 =	vgt.f32 v21, $0.0e+00;
	v48 =	vsel vm1, v22, v46  }
0x55: {  	vm3 =	vmor vm13, vm4;
	vm4 =	vmor vm15, vm5;
	v15 =	vadd.f32 $1.000000000e+00, v48  }
0x56: {  	vm13 =	vgt.f32 v19, $0.0e+00;
	vm15 =	vne.f32 v43, $0.0e+00;
	v14 =	vsub.f32 v12, v11  }
0x57: {  	v54 =	vsel vm3, $0x0, v28;
	v28 =	vor.u32 $0x4, v3;
	(erf) = vrcp.f32 v15;
	v47 =	vpop (erf)  }
0x58: {  	v16 =	vshra.s32 v16, $0x17;
	(erf) = vrcp.f32 v14;
	v18 =	vmul.f32 v47, v18  }
0x59: {  	v17 =	vshra.s32 v44, $0x17;
	v44 =	vimm.f32 $0.0e+00;
	(erf) = vrcp.f32 v13  }
0x5a: {  	v3 =	vsel vm4, $0xBF800000, v54;
	vm4 =	vmand vm0, vm12;
	v24 =	vmul.f32 v18, v18  }
0x5b: {  	v55 =	vld.idx.msk [tilespmem:v27+s2+$0x0], $0xffff;
	vm0 =	vmand vm0, vm14;
	vm8 =	vge.f32 v3, $0.0e+00;
	v27 =	vsel vm2, $0x1, v29  }
0x5c: {  	v10 =	vld.idx.msk [tilespmem:v62+s2+$0x0], $0xffff;
	v4 =	vsel vm8, $0x3F800000, v30;
	v30 =	vsel vm1, $0x1, v0;
	v26 =	vmul.f32 $1.428571490e-01, v24  }
0x5d: {  	v16 =	vadd.s32 v27, v16;
	vm2 =	vmand vm9, vm10;
	v17 =	vadd.s32 v30, v17  }
0x5e: {  	v30 =	vor.u32 $0x3, v51;
	v16 =	vadd.s32 $0xFFFFFF81, v16;
	v26 =	vadd.f32 $2.000000030e-01, v26  }
0x5f: {  	v29 =	vadd.f32 $-1.000000000e+00, v48;
	v17 =	vadd.s32 $0xFFFFFF81, v17;
	v27 =	vcvt.s32.f32 v16  }
0x60: {  	vm3 =	vmand vm11, vm2;
	v38 =	vld.idx.msk [tilespmem:v28+s2+$0x0], $0xffff;
	v28 =	vcvt.s32.f32 v17;
	v56 =	vpop (erf);
	v52 =	vmul.f32 v26, v24  }
0x61: {  	vm2 =	vmand vm13, vm2;
	vm13 =	vgt.f32 v13, $0.0e+00;
	v17 =	vsub.f32 v10, v23;
	v16 =	vpop (erf)  }
0x62: {  	v21 =	vld [tilespmem:s24+$0x5240];
	v59 =	vmul.f32 $6.931471820e-01, v27;
	v41 =	vmul.f32 $6.931471820e-01, v28;
	v60 =	vpop (erf);
	v22 =	vadd.f32 $3.333333430e-01, v52  }
0x63: {  	v19 =	vld [tilespmem:s24+$0x2B30];
	v15 =	vor.u32 $0x4, v51;
	v51 =	vimm.f32 $1.000000000e+00;
	v26 =	vmul.f32 v60, v17  }
0x64: {  	v12 =	vadd.f32 v12, v11;
	v22 =	vmul.f32 v22, v24;
	v24 =	vmul.f32 v56, v29  }
0x65: {  	vm7 =	vgt.f32 v17, $0.0e+00;
	v29 =	vadd.f32 v18, v18;
	v18 =	vsub.f32 v55, v23  }
0x66: {  	v25 =	vld.idx.msk [tilespmem:v53+s2+$0x0], $0xffff;
	v53 =	vmul.f32 $5.000000000e-01, v12;
	v26 =	vmax.f32 v26, $1.000000000e-30;
	v57 =	vmul.f32 v24, v24  }
0x67: {  	vm12 =	vgt.f32 v14, $0.0e+00;
	v45 =	vand.u32 $0x7FFFFF, v26;
	v27 =	vmul.f32 v60, v18  }
0x68: {  	v23 =	vsub.f32 v21, v19;
	v22 =	vadd.f32 $1.000000000e+00, v22;
	v61 =	vmul.f32 $1.428571490e-01, v57  }
0x69: {  	v55 =	vimm.s32 $0x0;
	v26 =	vshra.s32 v26, $0x17;
	v63 =	vmax.f32 v27, $1.000000000e-30  }
0x6a: {  	v58 =	vmul.f32 v22, v29;
	v29 =	vand.u32 $0x7FFFFF, v63;
	v7 =	vadd.f32 $2.000000030e-01, v61  }
0x6b: {  	v21 =	vadd.f32 v21, v19;
	v27 =	vmul.f32 $5.000000000e-01, v5;
	v37 =	vor.u32 $0x3F800000, v29  }
0x6c: {  	v24 =	vadd.f32 v24, v24;
	v29 =	vmul.f32 $5.000000000e-01, v37;
	v7 =	vmul.f32 v7, v57  }
0x6d: {  	vm14 =	vgt.f32 v18, $0.0e+00;
	v9 =	vadd.f32 v58, v59;
	vm1 =	vgt.f32 v37, $1.414213540e+00  }
0x6e: {  	v25 =	vsub.f32 v25, v27;
	v29 =	vsel vm1, v29, v37;
	v7 =	vadd.f32 $3.333333430e-01, v7  }
0x6f: {  	v42 =	vld [tilespmem:s24+$0x1798];
	v22 =	vshra.s32 v63, $0x17;
	v5 =	vnsel vm3, $0x0, v9;
	v39 =	vadd.f32 $1.000000000e+00, v29  }
0x70: {  	v28 =	vld.idx.msk [tilespmem:v30+s2+$0x0], $0xffff;
	v25 =	vmul.f32 v25, v36;
	v9 =	vsub.f32 v38, v27;
	v6 =	vmul.f32 v7, v57  }
0x71: {  	v30 =	vld [tilespmem:s24+$0x65C8];
	v56 =	vsel vm1, $0x1, v55;
	vm1 =	vmand vm12, vm13;
	(erf) = vrcp.f32 v39  }
0x72: {  	v9 =	vmul.f32 v9, v36;
	v7 =	vnsel vm3, $0x0, v25;
	v25 =	vld.idx.msk [tilespmem:v31+s2+$0x0], $0xffff;
	v6 =	vadd.f32 $1.000000000e+00, v6  }
0x73: {  	v27 =	vadd.f32 $-1.000000000e+00, v29;
	vm3 =	vmand vm4, vm3;
	v31 =	vld [tilespmem:s24+$0x3EB8];
	v57 =	vadd.s32 v56, v22  }
0x74: {  	v9 =	vnsel vm2, $0x0, v9;
	v59 =	vadd.s32 $0xFFFFFF81, v57;
	v40 =	vmul.f32 v6, v24  }
0x75: {  	v39 =	vimm.f32 $0.0e+00;
	v13 =	vcvt.s32.f32 v59;
	v6 =	vsel vm3, $0x3F800000, v44  }
0x76: {  	vm3 =	vmand vm0, vm2;
	vm0 =	vgt.s32 v42, $0x0;
	v10 =	vadd.f32 v40, v41  }
0x77: {  	v13 =	vmul.f32 $6.931471820e-01, v13;
	v42 =	vimm.s32 $0x0;
	vm4 =	vmand vm0, vm15  }
0x78: {  	v44 =	vld.idx.msk [tilespmem:v15+s2+$0x0], $0xffff;
	v20 =	vsub.f32 v30, v31;
	v8 =	vnsel vm2, $0x0, v10;
	v10 =	vor.u32 $0x3F800000, v45  }
0x79: {  	v46 =	vld [tilespmem:s24+$0x420];
	vm15 =	vgt.f32 v28, $0.0e+00;
	v32 =	vnsel vm4, $0xBF800000, v28;
	v29 =	vmul.f32 $5.000000000e-01, v10  }
0x7a: {  	v35 =	vnsel vm4, $0xBF800000, v25;
	vm9 =	vgt.f32 v32, $0.0e+00;
	v47 =	vpop (erf);
	vm8 =	vgt.f32 v10, $1.414213540e+00  }
0x7b: {  	vm4 =	vgt.f32 v35, $0.0e+00;
	v48 =	vmul.f32 v47, v27;
	v29 =	vsel vm8, v29, v10  }
0x7c: {  	vm10 =	vlt.f32 v32, $0.0e+00;
	vm11 =	vlt.f32 v35, $0.0e+00;
	v50 =	vadd.f32 $1.000000000e+00, v29  }
0x7d: {  	vm4 =	vmneg vm4;
	v32 =	vsub.f32 v44, v53;
	v34 =	vmul.f32 v48, v48  }
0x7e: {  	[tilespmem:s24+$0xDAD8] =	vst v8;
	v8 =	vimm.s32 $0x0;
	v27 =	vshll.u32 v46, $0x3;
	(erf) = vrcp.f32 v50  }
0x7f: {  	v43 =	vsel vm8, $0x1, v42;
	v10 =	vsel vm3, $0x3F800000, v49;
	v36 =	vmul.f32 $1.428571490e-01, v34  }
0x80: {  	vm3 =	vmneg vm9;
	v37 =	vor.u32 $0x2, v27;
	v62 =	vor.u32 $0x5, v27  }
0x81: {  	v26 =	vadd.s32 v43, v26;
	(erf) = vrcp.f32 v23;
	v30 =	vadd.f32 $2.000000030e-01, v36  }
0x82: {  	v49 =	vimm.f32 $0.0e+00;
	v32 =	vmul.f32 v32, v16;
	(erf) = vrcp.f32 v20  }
0x83: {  	vm8 =	vgt.f32 v25, $0.0e+00;
	v44 =	vor.u32 $0x4, v27;
	v30 =	vmul.f32 v30, v34  }
0x84: {  	vm3 =	vmor vm3, vm4;
	vm4 =	vmor vm10, vm11;
	v29 =	vadd.f32 $-1.000000000e+00, v29;
	v50 =	vld.idx.msk [tilespmem:v27+s2+$0x0], $0xffff  }
0x85: {  	v24 =	vadd.f32 v48, v48;
	v52 =	vsel vm3, $0x0, v51;
	v54 =	vadd.f32 $3.333333430e-01, v30;
	v30 =	vld.idx.msk [tilespmem:v37+s2+$0x0], $0xffff  }
0x86: {  	v45 =	vadd.s32 $0xFFFFFF81, v26;
	v11 =	vsel vm4, $0xBF800000, v52;
	v52 =	vor.u32 $0x3, v27  }
0x87: {  	vm3 =	vmand vm14, vm1;
	v47 =	vcvt.s32.f32 v45;
	v12 =	vmul.f32 v54, v34;
	v58 =	vpop (erf)  }
0x88: {  	vm1 =	vmand vm7, vm1;
	vm7 =	vgt.f32 v20, $0.0e+00;
	v60 =	vmul.f32 v58, v29  }
0x89: {  	v17 =	vnsel vm1, $0x0, v32;
	vm4 =	vge.f32 v11, $0.0e+00;
	v29 =	vld.idx.msk [tilespmem:v33+s2+$0x0], $0xffff;
	v12 =	vadd.f32 $1.000000000e+00, v12  }
0x8a: {  	vm9 =	vne.f32 v50, $0.0e+00;
	v22 =	vpop (erf);
	v30 =	vsub.f32 v30, v31;
	v61 =	vmul.f32 v60, v60  }
0x8b: {  	v34 =	vld.idx.msk [tilespmem:v52+s2+$0x0], $0xffff;
	v52 =	vimm.s32 $0x0;
	v33 =	vmul.f32 $6.931471820e-01, v47;
	v63 =	vpop (erf);
	v12 =	vmul.f32 v12, v24  }
0x8c: {  	v48 =	vadd.f32 v60, v60;
	v38 =	vmul.f32 v63, v30;
	v37 =	vmul.f32 $1.428571490e-01, v61  }
0x8d: {  	v12 =	vadd.f32 v12, v13;
	v13 =	vsel vm4, $0x3F800000, v39;
	vm4 =	vmand vm0, vm15  }
0x8e: {  	v29 =	vsub.f32 v29, v53;
	v35 =	vmax.f32 v38, $1.000000000e-30;
	v18 =	vadd.f32 $2.000000030e-01, v37  }
0x8f: {  	v24 =	vld.idx.msk [tilespmem:v62+s2+$0x0], $0xffff;
	vm4 =	vmand vm4, vm3;
	v53 =	vor.u32 $0x6, v27;
	v40 =	vand.u32 $0x7FFFFF, v35  }
0x90: {  	v38 =	vld [tilespmem:s24+$0x430];
	v41 =	vmul.f32 v29, v16;
	v29 =	vor.u32 $0x3F800000, v40;
	v18 =	vmul.f32 v18, v61  }
0x91: {  	v12 =	vnsel vm3, $0x0, v12;
	v14 =	vsel vm4, $0x3F800000, v49;
	v28 =	vmul.f32 $5.000000000e-01, v29  }
0x92: {  	v50 =	vshra.s32 v35, $0x17;
	vm2 =	vgt.f32 v29, $1.414213540e+00;
	v18 =	vadd.f32 $3.333333430e-01, v18  }
0x93: {  	v26 =	vld [tilespmem:s24+$0x5250];
	v15 =	vnsel vm3, $0x0, v41;
	vm3 =	vmand vm0, vm8;
	v28 =	vsel vm2, v28, v29  }
0x94: {  	v29 =	vsub.f32 v24, v31;
	v24 =	vld [tilespmem:s24+$0x2B40];
	v46 =	vadd.f32 $1.000000000e+00, v28;
	v18 =	vmul.f32 v18, v61  }
0x95: {  	vm8 =	vgt.f32 v30, $0.0e+00;
	vm3 =	vmand vm3, vm1;
	v32 =	vshll.u32 v38, $0x3  }
0x96: {  	v31 =	vld [tilespmem:s24+$0x17A8];
	v51 =	vmul.f32 v63, v29;
	(erf) = vrcp.f32 v46;
	v18 =	vadd.f32 $1.000000000e+00, v18  }
0x97: {  	v36 =	vld.idx.msk [tilespmem:v53+s2+$0x0], $0xffff;
	v53 =	vsel vm2, $0x1, v52;
	v28 =	vadd.f32 $-1.000000000e+00, v28;
	v2 =	vor.u32 $0x3, v32  }
0x98: {  	v61 =	vimm.f32 $0.0e+00;
	v39 =	vmax.f32 v51, $1.000000000e-30;
	v18 =	vmul.f32 v18, v48  }
0x99: {  	v63 =	vor.u32 $0x1, v27;
	v55 =	vand.u32 $0x7FFFFF, v39;
	v25 =	vsub.f32 v26, v24  }
0x9a: {  	v40 =	vld [tilespmem:s24+$0x65D8];
	v39 =	vshra.s32 v39, $0x17;
	v54 =	vadd.f32 v18, v33;
	v18 =	vor.u32 $0x3F800000, v55  }
0x9b: {  	v24 =	vadd.f32 v26, v24;
	v48 =	vimm.f32 $1.000000000e+00;
	v33 =	vld [tilespmem:s24+$0x3EC8];
	v56 =	vmul.f32 $5.000000000e-01, v18  }
0x9c: {  	vm0 =	vgt.f32 v18, $1.414213540e+00;
	v16 =	vnsel vm1, $0x0, v54;
	vm1 =	vgt.s32 v31, $0x0  }
0x9d: {  	v41 =	vsel vm0, v56, v18;
	vm4 =	vmand vm1, vm9;
	v18 =	vsel vm3, $0x3F800000, v61  }
0x9e: {  	vm9 =	vgt.f32 v34, $0.0e+00;
	v31 =	vadd.f32 $1.000000000e+00, v41;
	v60 =	vnsel vm4, $0xBF800000, v34  }
0x9f: {  	v57 =	vpop (erf);
	v42 =	vnsel vm4, $0xBF800000, v36;
	v27 =	vadd.f32 $-1.000000000e+00, v41;
	v41 =	vmul.f32 $5.000000000e-01, v21  }
0xa0: {  	v21 =	vadd.s32 v53, v50;
	v58 =	vmul.f32 v57, v28;
	v28 =	vsub.f32 v40, v33  }
0xa1: {  	vm10 =	vgt.f32 v60, $0.0e+00;
	vm11 =	vgt.f32 v42, $0.0e+00;
	(erf) = vrcp.f32 v31  }
0xa2: {  	vm14 =	vlt.f32 v60, $0.0e+00;
	vm6 =	vlt.f32 v42, $0.0e+00;
	v31 =	vor.u32 $0x2, v32  }
0xa3: {  	v21 =	vadd.s32 $0xFFFFFF81, v21;
	v57 =	vor.u32 $0x5, v32;
	(erf) = vrcp.f32 v25  }
0xa4: {  	v42 =	vld.idx.msk [tilespmem:v63+s2+$0x0], $0xffff;
	v63 =	vimm.s32 $0x0;
	v59 =	vmul.f32 v58, v58;
	(erf) = vrcp.f32 v28  }
0xa5: {  	vm12 =	vmneg vm10;
	vm13 =	vmneg vm11;
	vm15 =	vmor vm14, vm6  }
0xa6: {  	v52 =	vld.idx.msk [tilespmem:v32+s2+$0x0], $0xffff;
	vm6 =	vgt.f32 v23, $0.0e+00;
	v21 =	vcvt.s32.f32 v21;
	v43 =	vmul.f32 $1.428571490e-01, v59  }
0xa7: {  	v1 =	vsel vm0, $0x1, v63;
	vm0 =	vmand vm1, vm9;
	vm10 =	vgt.f32 v29, $0.0e+00;
	v31 =	vld.idx.msk [tilespmem:v31+s2+$0x0], $0xffff  }
0xa8: {  	v63 =	vor.u32 $0x1, v32;
	vm3 =	vmor vm12, vm13;
	v62 =	vadd.f32 $2.000000030e-01, v43  }
0xa9: {  	v37 =	vadd.f32 v58, v58;
	v39 =	vadd.s32 v1, v39;
	vm12 =	vgt.f32 v36, $0.0e+00  }
0xaa: {  	v49 =	vsel vm3, $0x0, v48;
	v21 =	vmul.f32 $6.931471820e-01, v21;
	v40 =	vmul.f32 v62, v59;
	v51 =	vpop (erf)  }
0xab: {  	v50 =	vld [tilespmem:s24+$0x17B8];
	vm3 =	vmand vm6, vm7;
	v48 =	vor.u32 $0x6, v32;
	v45 =	vmul.f32 v51, v27  }
0xac: {  	vm7 =	vne.f32 v52, $0.0e+00;
	v40 =	vadd.f32 $3.333333430e-01, v40;
	v27 =	vpop (erf);
	v35 =	vsub.f32 v31, v33  }
0xad: {  	vm1 =	vmand vm1, vm12;
	vm12 =	vgt.f32 v28, $0.0e+00;
	v55 =	vpop (erf);
	v31 =	vmul.f32 v45, v45  }
0xae: {  	v19 =	vsel vm15, $0xBF800000, v49;
	v54 =	vmul.f32 v40, v59;
	v56 =	vmul.f32 v55, v35  }
0xaf: {  	v44 =	vld.idx.msk [tilespmem:v44+s2+$0x0], $0xffff;
	vm4 =	vmand vm8, vm3;
	vm11 =	vmand vm10, vm3;
	v46 =	vmul.f32 $1.428571490e-01, v31  }
0xb0: {  	vm3 =	vgt.s32 v50, $0x0;
	v23 =	vadd.f32 $1.000000000e+00, v54;
	v40 =	vmax.f32 v56, $1.000000000e-30  }
0xb1: {  	v42 =	vsub.f32 v42, v41;
	v59 =	vand.u32 $0x7FFFFF, v40;
	v60 =	vadd.f32 $2.000000030e-01, v46  }
0xb2: {  	vm0 =	vmand vm0, vm4;
	v58 =	vmul.f32 v23, v37;
	v23 =	vor.u32 $0x3F800000, v59  }
0xb3: {  	vm13 =	vmand vm3, vm7;
	v62 =	vld.idx.msk [tilespmem:v57+s2+$0x0], $0xffff;
	v30 =	vmul.f32 $5.000000000e-01, v23;
	v61 =	vmul.f32 v60, v31  }
0xb4: {  	vm1 =	vmand vm1, vm11;
	v57 =	vld [tilespmem:s24+$0x440];
	v51 =	vsub.f32 v44, v41;
	vm2 =	vgt.f32 v23, $1.414213540e+00  }
0xb5: {  	v20 =	vadd.f32 v58, v21;
	v23 =	vsel vm2, v30, v23;
	v21 =	vadd.f32 $3.333333430e-01, v61  }
0xb6: {  	v42 =	vmul.f32 v42, v22;
	v53 =	vmul.f32 v51, v22;
	v30 =	vadd.f32 $1.000000000e+00, v23  }
0xb7: {  	v51 =	vimm.s32 $0x0;
	v46 =	vadd.f32 v45, v45;
	v21 =	vmul.f32 v21, v31  }
0xb8: {  	(erf) = vrcp.f32 v30;
	v30 =	vadd.s32 $0xFFFFFF81, v39;
	v31 =	vsub.f32 v62, v33  }
0xb9: {  	v45 =	vshll.u32 v57, $0x3;
	v30 =	vcvt.s32.f32 v30;
	v47 =	vadd.f32 $1.000000000e+00, v21  }
0xba: {  	v37 =	vld.idx.msk [tilespmem:v48+s2+$0x0], $0xffff;
	v40 =	vshra.s32 v40, $0x17;
	v50 =	vor.u32 $0x2, v45;
	v49 =	vmul.f32 v55, v31  }
0xbb: {  	v57 =	vor.u32 $0x5, v45;
	v30 =	vmul.f32 $6.931471820e-01, v30;
	v33 =	vmul.f32 v47, v46  }
0xbc: {  	v0 =	vor.u32 $0x3, v45;
	v21 =	vnsel vm4, $0x0, v42;
	v42 =	vmax.f32 v49, $1.000000000e-30  }
0xbd: {  	v52 =	vsel vm2, $0x1, v51;
	v29 =	vand.u32 $0x7FFFFF, v42;
	v30 =	vadd.f32 v33, v30  }
0xbe: {  	v43 =	vld [tilespmem:s24+$0x3ED8];
	v20 =	vnsel vm4, $0x0, v20;
	v40 =	vadd.s32 v52, v40;
	v54 =	vor.u32 $0x3F800000, v29  }
0xbf: {  	v52 =	vimm.s32 $0x0;
	v48 =	vnsel vm13, $0xBF800000, v37;
	v39 =	vld.idx.msk [tilespmem:v2+s2+$0x0], $0xffff;
	v56 =	vmul.f32 $5.000000000e-01, v54  }
0xc0: {  	[tilespmem:s24+$0xB3E8] =	vst v20;
	v20 =	vimm.s32 $0x0;
	v38 =	vld.idx.msk [tilespmem:v57+s2+$0x0], $0xffff;
	v55 =	vadd.f32 $-1.000000000e+00, v23;
	vm4 =	vgt.f32 v54, $1.414213540e+00  }
0xc1: {  	vm6 =	vgt.f32 v48, $0.0e+00;
	v29 =	vld [tilespmem:s24+$0x2B50];
	v22 =	vnsel vm11, $0x0, v30;
	v59 =	vsel vm4, v56, v54;
	v30 =	vpop (erf)  }
0xc2: {  	vm9 =	vlt.f32 v48, $0.0e+00;
	v34 =	vadd.f32 $1.000000000e+00, v59;
	v58 =	vmul.f32 v30, v55;
	v30 =	vld [tilespmem:s24+$0x5260]  }
0xc3: {  	v61 =	vld [tilespmem:s24+$0x65E8];
	vm6 =	vmneg vm6;
	v23 =	vnsel vm11, $0x0, v53;
	[tilespmem:s24+$0xA060] =	vst v21;
	v21 =	vimm.f32 $0.0e+00  }
0xc4: {  	v47 =	vor.u32 $0x4, v32;
	(erf) = vrcp.f32 v34;
	v60 =	vmul.f32 v58, v58  }
0xc5: {  	v46 =	vmul.f32 $5.000000000e-01, v24;
	v62 =	vnsel vm13, $0xBF800000, v39;
	vm13 =	vgt.f32 v35, $0.0e+00  }
0xc6: {  	v51 =	vshra.s32 v42, $0x17;
	v38 =	vsub.f32 v38, v43;
	v1 =	vmul.f32 $1.428571490e-01, v60  }
0xc7: {  	vm14 =	vgt.f32 v62, $0.0e+00;
	vm15 =	vlt.f32 v62, $0.0e+00;
	v32 =	vsub.f32 v30, v29  }
0xc8: {  	vm5 =	vmneg vm14;
	v34 =	vsub.f32 v61, v43;
	v49 =	vadd.f32 $2.000000030e-01, v1  }
0xc9: {  	vm10 =	vmor vm15, vm9;
	vm15 =	vgt.f32 v39, $0.0e+00;
	(erf) = vrcp.f32 v32  }
0xca: {  	vm9 =	vgt.f32 v31, $0.0e+00;
	v2 =	vmul.f32 v49, v60;
	(erf) = vrcp.f32 v34  }
0xcb: {  	vm5 =	vmor vm5, vm6;
	vm11 =	vgt.f32 v25, $0.0e+00;
	vm6 =	vmand vm3, vm15  }
0xcc: {  	v56 =	vadd.s32 $0xFFFFFF81, v40;
	v36 =	vadd.f32 $-1.000000000e+00, v59;
	v55 =	vld.idx.msk [tilespmem:v63+s2+$0x0], $0xffff;
	v49 =	vadd.f32 $3.333333430e-01, v2  }
0xcd: {  	v54 =	vld.idx.msk [tilespmem:v50+s2+$0x0], $0xffff;
	[tilespmem:s24+$0xDAF8] =	vst v22;
	v22 =	vimm.f32 $0.0e+00;
	v24 =	vcvt.s32.f32 v56;
	v33 =	vadd.f32 v58, v58;
	v53 =	vpop (erf)  }
0xce: {  	v58 =	vimm.f32 $1.000000000e+00;
	v36 =	vmul.f32 v53, v36;
	v26 =	vmul.f32 v49, v60  }
0xcf: {  	v24 =	vmul.f32 $6.931471820e-01, v24;
	v59 =	vsel vm5, $0x0, v58;
	vm5 =	vmand vm11, vm12  }
0xd0: {  	vm15 =	vgt.f32 v34, $0.0e+00;
	v60 =	vmul.f32 v36, v36;
	v26 =	vadd.f32 $1.000000000e+00, v26  }
0xd1: {  	vm14 =	vmand vm13, vm5;
	vm5 =	vmand vm9, vm5;
	v28 =	vsub.f32 v55, v46  }
0xd2: {  	v49 =	vsub.f32 v54, v43;
	v62 =	vmul.f32 $1.428571490e-01, v60;
	v61 =	vmul.f32 v26, v33;
	v33 =	vpop (erf)  }
0xd3: {  	vm2 =	vmand vm6, vm14;
	v29 =	vadd.f32 v30, v29;
	v28 =	vmul.f32 v28, v27;
	v63 =	vpop (erf)  }
0xd4: {  	v1 =	vor.u32 $0x6, v45;
	v44 =	vadd.f32 $2.000000030e-01, v62;
	v41 =	vmul.f32 v63, v49  }
0xd5: {  	[tilespmem:s24+$0xC760] =	vst v17;
	v17 =	vsel vm2, $0x3F800000, v21;
	v25 =	vnsel vm14, $0x0, v28;
	v53 =	vsel vm4, $0x1, v52  }
0xd6: {  	v39 =	vadd.s32 v53, v51;
	v50 =	vmul.f32 v44, v60;
	v44 =	vmax.f32 v41, $1.000000000e-30  }
0xd7: {  	v55 =	vld.idx.msk [tilespmem:v47+s2+$0x0], $0xffff;
	v43 =	vor.u32 $0x1, v45;
	v36 =	vadd.f32 v36, v36;
	v28 =	vand.u32 $0x7FFFFF, v44  }
0xd8: {  	v56 =	vadd.s32 $0xFFFFFF81, v39;
	v26 =	vsel vm10, $0xBF800000, v59;
	v28 =	vor.u32 $0x3F800000, v28  }
0xd9: {  	vm10 =	vgt.f32 v37, $0.0e+00;
	v40 =	vadd.f32 $3.333333430e-01, v50;
	v54 =	vmul.f32 $5.000000000e-01, v28  }
0xda: {  	v58 =	vld [tilespmem:s24+$0x17C8];
	v35 =	vcvt.s32.f32 v56;
	vm3 =	vmand vm3, vm10;
	vm4 =	vgt.f32 v28, $1.414213540e+00  }
0xdb: {  	v53 =	vld [tilespmem:s24+$0x3EE8];
	v24 =	vadd.f32 v61, v24;
	v40 =	vmul.f32 v40, v60;
	v42 =	vsel vm4, v54, v28  }
0xdc: {  	vm3 =	vmand vm3, vm5;
	v41 =	vsub.f32 v55, v46;
	v55 =	vld [tilespmem:s24+$0x65F8];
	v59 =	vadd.f32 $1.000000000e+00, v42  }
0xdd: {  	[tilespmem:s24+$0x101F8] =	vst v18;
	v18 =	vsel vm3, $0x3F800000, v22;
	v60 =	vld.idx.msk [tilespmem:v45+s2+$0x0], $0xffff;
	v28 =	vmul.f32 v63, v38;
	v57 =	vadd.f32 $1.000000000e+00, v40  }
0xde: {  	v62 =	vld [tilespmem:s24+$0x450];
	v24 =	vnsel vm14, $0x0, v24;
	vm14 =	vgt.f32 v32, $0.0e+00;
	(erf) = vrcp.f32 v59  }
0xdf: {  	v63 =	vmul.f32 $6.931471820e-01, v35;
	v35 =	vld [tilespmem:s24+$0x2B60];
	v48 =	vmax.f32 v28, $1.000000000e-30;
	v28 =	vmul.f32 v57, v36  }
0xe0: {  	v31 =	vmul.f32 v41, v27;
	v45 =	vor.u32 $0x4, v45;
	v36 =	vld [tilespmem:s24+$0x5270];
	v61 =	vand.u32 $0x7FFFFF, v48  }
0xe1: {  	v39 =	vsub.f32 v55, v53;
	v51 =	vor.u32 $0x3F800000, v61;
	v28 =	vadd.f32 v28, v63  }
0xe2: {  	v46 =	vld.idx.msk [tilespmem:v1+s2+$0x0], $0xffff;
	v54 =	vmul.f32 $5.000000000e-01, v29;
	vm11 =	vne.f32 v60, $0.0e+00;
	v52 =	vmul.f32 $5.000000000e-01, v51  }
0xe3: {  	v50 =	vld.idx.msk [tilespmem:v0+s2+$0x0], $0xffff;
	vm6 =	vgt.f32 v51, $1.414213540e+00;
	v27 =	vnsel vm5, $0x0, v28;
	v28 =	vnsel vm5, $0x0, v31  }
0xe4: {  	v43 =	vld.idx.msk [tilespmem:v43+s2+$0x0], $0xffff;
	vm5 =	vgt.s32 v58, $0x0;
	v31 =	vadd.f32 $-1.000000000e+00, v42;
	v2 =	vsel vm6, v52, v51  }
0xe5: {  	v51 =	vshll.u32 v62, $0x3;
	v40 =	vsub.f32 v36, v35;
	v56 =	vadd.f32 $1.000000000e+00, v2  }
0xe6: {  	vm7 =	vmand vm5, vm11;
	vm11 =	vgt.f32 v49, $0.0e+00;
	v35 =	vadd.f32 v36, v35  }
0xe7: {  	[tilespmem:s24+$0xC780] =	vst v28;
	v28 =	vimm.f32 $1.000000000e+00;
	v58 =	vor.u32 $0x2, v51;
	(erf) = vrcp.f32 v56;
	v57 =	vpop (erf)  }
0xe8: {  	v59 =	vnsel vm7, $0xBF800000, v50;
	v60 =	vnsel vm7, $0xBF800000, v46;
	v31 =	vmul.f32 v57, v31  }
0xe9: {  	v30 =	vadd.f32 $-1.000000000e+00, v2;
	v2 =	vsub.f32 v43, v54;
	(erf) = vrcp.f32 v40  }
0xea: {  	vm12 =	vgt.f32 v59, $0.0e+00;
	(erf) = vrcp.f32 v39;
	v61 =	vmul.f32 v31, v31  }
0xeb: {  	vm8 =	vgt.f32 v60, $0.0e+00;
	vm9 =	vlt.f32 v59, $0.0e+00;
	vm10 =	vlt.f32 v60, $0.0e+00  }
0xec: {  	vm7 =	vmneg vm12;
	vm8 =	vmneg vm8;
	v62 =	vmul.f32 $1.428571490e-01, v61  }
0xed: {  	vm13 =	vmor vm9, vm10;
	v56 =	vimm.f32 $1.000000000e+00;
	vm12 =	vgt.f32 v50, $0.0e+00;
	v42 =	vld.idx.msk [tilespmem:v58+s2+$0x0], $0xffff  }
0xee: {  	vm7 =	vmor vm7, vm8;
	vm8 =	vmand vm5, vm12;
	v37 =	vadd.f32 $2.000000030e-01, v62  }
0xef: {  	v47 =	vsel vm7, $0x0, v56;
	vm7 =	vmand vm14, vm15;
	vm14 =	vgt.f32 v46, $0.0e+00  }
0xf0: {  	v43 =	vld.idx.msk [tilespmem:v51+s2+$0x0], $0xffff;
	v57 =	vshra.s32 v44, $0x17;
	v58 =	vimm.s32 $0x0;
	vm5 =	vmand vm5, vm14;
	v63 =	vpop (erf)  }
0xf1: {  	v59 =	vsel vm4, $0x1, v58;
	vm4 =	vmand vm11, vm7;
	v29 =	vmul.f32 v63, v30  }
0xf2: {  	v34 =	vadd.s32 v59, v57;
	v41 =	vsub.f32 v42, v53;
	v30 =	vmul.f32 v37, v61;
	v37 =	vpop (erf)  }
0xf3: {  	v31 =	vadd.f32 v31, v31;
	v34 =	vadd.s32 $0xFFFFFF81, v34;
	v32 =	vmul.f32 v29, v29;
	v44 =	vpop (erf)  }
0xf4: {  	v34 =	vcvt.s32.f32 v34;
	v30 =	vadd.f32 $3.333333430e-01, v30;
	v55 =	vmul.f32 v44, v41  }
0xf5: {  	vm15 =	vne.f32 v43, $0.0e+00;
	v63 =	vimm.s32 $0x0;
	v60 =	vmul.f32 $1.428571490e-01, v32  }
0xf6: {  	v30 =	vmul.f32 v30, v61;
	v61 =	vor.u32 $0x5, v51;
	v49 =	vmax.f32 v55, $1.000000000e-30  }
0xf7: {  	v34 =	vmul.f32 $6.931471820e-01, v34;
	v56 =	vsel vm6, $0x1, v63;
	v55 =	vand.u32 $0x7FFFFF, v49  }
0xf8: {  	v57 =	vld.idx.msk [tilespmem:v45+s2+$0x0], $0xffff;
	v63 =	vor.u32 $0x6, v51;
	v42 =	vadd.f32 $2.000000030e-01, v60;
	v55 =	vor.u32 $0x3F800000, v55  }
0xf9: {  	v58 =	vadd.f32 v29, v29;
	v30 =	vadd.f32 $1.000000000e+00, v30;
	v62 =	vmul.f32 $5.000000000e-01, v55  }
0xfa: {  	v42 =	vmul.f32 v42, v32;
	v49 =	vshra.s32 v49, $0x17;
	vm6 =	vgt.f32 v55, $1.414213540e+00  }
0xfb: {  	v30 =	vmul.f32 v30, v31;
	v31 =	vshra.s32 v48, $0x17;
	v0 =	vld.idx.msk [tilespmem:v61+s2+$0x0], $0xffff;
	v48 =	vsel vm6, v62, v55  }
0xfc: {  	v42 =	vadd.f32 $3.333333430e-01, v42;
	v31 =	vadd.s32 v56, v31;
	v1 =	vadd.f32 $1.000000000e+00, v48  }
0xfd: {  	v61 =	vsub.f32 v57, v54;
	v57 =	vor.u32 $0x1, v51;
	v31 =	vadd.s32 $0xFFFFFF81, v31  }
0xfe: {  	v30 =	vadd.f32 v30, v34;
	v34 =	vmul.f32 v2, v33;
	(erf) = vrcp.f32 v1  }
0xff: {  	v32 =	vmul.f32 v42, v32;
	v31 =	vcvt.s32.f32 v31;
	v62 =	vor.u32 $0x3, v51  }
0x100: {  	v45 =	vld [tilespmem:s24+$0x460];
	v33 =	vmul.f32 v61, v33;
	v29 =	vnsel vm4, $0x0, v30;
	v50 =	vsub.f32 v0, v53  }
0x101: {  	v55 =	vld [tilespmem:s24+$0x3EF8];
	v59 =	vadd.f32 $1.000000000e+00, v32;
	v32 =	vsel vm13, $0xBF800000, v47;
	v60 =	vmul.f32 $6.931471820e-01, v31  }
0x102: {  	v61 =	vld [tilespmem:s24+$0x6608];
	v31 =	vnsel vm4, $0x0, v34;
	vm13 =	vgt.f32 v38, $0.0e+00;
	v42 =	vmul.f32 v44, v50  }
0x103: {  	vm4 =	vmand vm8, vm4;
	[tilespmem:s24+$0xB408] =	vst v29;
	v29 =	vimm.s32 $0x0;
	vm7 =	vmand vm13, vm7  }
0x104: {  	v34 =	vld [tilespmem:s24+$0x17D8];
	v0 =	vadd.f32 $-1.000000000e+00, v48;
	v30 =	vmul.f32 v59, v58;
	v54 =	vmax.f32 v42, $1.000000000e-30  }
0x105: {  	v38 =	vld [tilespmem:s24+$0x2B70];
	v48 =	vshll.u32 v45, $0x3;
	v33 =	vnsel vm7, $0x0, v33;
	v42 =	vand.u32 $0x7FFFFF, v54  }
0x106: {  	vm5 =	vmand vm5, vm7;
	v58 =	vld.idx.msk [tilespmem:v63+s2+$0x0], $0xffff;
	v30 =	vadd.f32 v30, v60;
	v2 =	vor.u32 $0x3F800000, v42  }
0x107: {  	v59 =	vor.u32 $0x4, v51;
	v44 =	vld.idx.msk [tilespmem:v62+s2+$0x0], $0xffff;
	v52 =	vsub.f32 v61, v55;
	v60 =	vmul.f32 $5.000000000e-01, v2;
	v1 =	vpop (erf)  }
0x108: {  	v30 =	vnsel vm7, $0x0, v30;
	v42 =	vld [tilespmem:s24+$0x5280];
	vm7 =	vgt.f32 v2, $1.414213540e+00;
	v46 =	vmul.f32 v1, v0  }
0x109: {  	v61 =	vimm.f32 $1.000000000e+00;
	vm8 =	vgt.s32 v34, $0x0;
	v47 =	vsel vm7, v60, v2  }
0x10a: {  	vm9 =	vmand vm8, vm15;
	v62 =	vadd.f32 $1.000000000e+00, v47;
	v43 =	vmul.f32 v46, v46  }
0x10b: {  	vm15 =	vgt.f32 v40, $0.0e+00;
	v54 =	vshra.s32 v54, $0x17;
	[tilespmem:s24+$0xDB18] =	vst v30;
	v30 =	vimm.f32 $0.0e+00  }
0x10c: {  	v2 =	vnsel vm9, $0xBF800000, v58;
	(erf) = vrcp.f32 v62;
	v63 =	vmul.f32 $1.428571490e-01, v43  }
0x10d: {  	v0 =	vor.u32 $0x2, v48;
	v1 =	vnsel vm9, $0xBF800000, v44;
	v53 =	vsub.f32 v42, v38  }
0x10e: {  	vm13 =	vgt.f32 v2, $0.0e+00;
	vm12 =	vgt.f32 v1, $0.0e+00;
	v51 =	vadd.f32 $2.000000030e-01, v63  }
0x10f: {  	vm10 =	vmneg vm13;
	vm11 =	vlt.f32 v1, $0.0e+00;
	(erf) = vrcp.f32 v53  }
0x110: {  	vm13 =	vgt.f32 v41, $0.0e+00;
	(erf) = vrcp.f32 v52;
	v51 =	vmul.f32 v51, v43  }
0x111: {  	vm9 =	vmneg vm12;
	vm12 =	vlt.f32 v2, $0.0e+00;
	v46 =	vadd.f32 v46, v46  }
0x112: {  	vm9 =	vmor vm9, vm10;
	v63 =	vimm.s32 $0x0;
	v60 =	vadd.f32 $3.333333430e-01, v51  }
0x113: {  	vm14 =	vmor vm11, vm12;
	vm12 =	vgt.f32 v39, $0.0e+00;
	v62 =	vsel vm9, $0x0, v61;
	v51 =	vld.idx.msk [tilespmem:v0+s2+$0x0], $0xffff  }
0x114: {  	v61 =	vadd.f32 $-1.000000000e+00, v47;
	v2 =	vsel vm6, $0x1, v63;
	v43 =	vmul.f32 v60, v43  }
0x115: {  	v34 =	vsel vm14, $0xBF800000, v62;
	vm14 =	vgt.f32 v44, $0.0e+00;
	v49 =	vadd.s32 v2, v49;
	v63 =	vpop (erf)  }
0x116: {  	vm11 =	vmand vm8, vm14;
	v60 =	vadd.s32 $0xFFFFFF81, v49;
	v40 =	vmul.f32 v63, v61  }
0x117: {  	vm6 =	vmand vm15, vm12;
	v36 =	vcvt.s32.f32 v60;
	v62 =	vadd.f32 $1.000000000e+00, v43  }
0x118: {  	v56 =	vld.idx.msk [tilespmem:v57+s2+$0x0], $0xffff;
	vm12 =	vgt.f32 v50, $0.0e+00;
	v39 =	vmul.f32 v40, v40;
	v47 =	vsub.f32 v51, v55;
	v43 =	vpop (erf)  }
0x119: {  	v36 =	vmul.f32 $6.931471820e-01, v36;
	v0 =	vmul.f32 v62, v46;
	v46 =	vor.u32 $0x5, v48;
	v57 =	vpop (erf)  }
0x11a: {  	vm10 =	vmand vm13, vm6;
	v51 =	vmul.f32 $1.428571490e-01, v39;
	v1 =	vmul.f32 v57, v47  }
0x11b: {  	v49 =	vimm.s32 $0x0;
	v60 =	vmul.f32 $5.000000000e-01, v35;
	v40 =	vadd.f32 v40, v40  }
0x11c: {  	v2 =	vadd.f32 v0, v36;
	v36 =	vadd.f32 $2.000000030e-01, v51;
	v61 =	vmax.f32 v1, $1.000000000e-30  }
0x11d: {  	v63 =	vsub.f32 v56, v60;
	v51 =	vor.u32 $0x3, v48;
	v0 =	vand.u32 $0x7FFFFF, v61  }
0x11e: {  	v35 =	vnsel vm10, $0x0, v2;
	v2 =	vmul.f32 v36, v39;
	v46 =	vld.idx.msk [tilespmem:v46+s2+$0x0], $0xffff;
	v45 =	vor.u32 $0x3F800000, v0  }
0x11f: {  	v62 =	vor.u32 $0x6, v48;
	v41 =	vmul.f32 v63, v37;
	v1 =	vmul.f32 $5.000000000e-01, v45  }
0x120: {  	v63 =	vsel vm7, $0x1, v49;
	v44 =	vadd.f32 $3.333333430e-01, v2;
	vm9 =	vgt.f32 v45, $1.414213540e+00  }
0x121: {  	vm7 =	vmand vm11, vm10;
	v36 =	vnsel vm10, $0x0, v41;
	v41 =	vsel vm9, v1, v45;
	v45 =	vld [tilespmem:s24+$0x17E8]  }
0x122: {  	vm11 =	vmand vm12, vm6;
	vm12 =	vgt.f32 v58, $0.0e+00;
	v39 =	vmul.f32 v44, v39;
	v1 =	vld.idx.msk [tilespmem:v48+s2+$0x0], $0xffff  }
0x123: {  	vm8 =	vmand vm8, vm12;
	v51 =	vld.idx.msk [tilespmem:v51+s2+$0x0], $0xffff;
	v56 =	vadd.f32 $1.000000000e+00, v41;
	v49 =	vsub.f32 v46, v55  }
0x124: {  	v61 =	vshra.s32 v61, $0x17;
	v55 =	vadd.s32 v63, v54;
	v46 =	vld.idx.msk [tilespmem:v62+s2+$0x0], $0xffff;
	v2 =	vadd.f32 $1.000000000e+00, v39  }
0x125: {  	v63 =	vadd.s32 $0xFFFFFF81, v55;
	(erf) = vrcp.f32 v56;
	v0 =	vmul.f32 v57, v49  }
0x126: {  	v41 =	vadd.f32 $-1.000000000e+00, v41;
	v44 =	vcvt.s32.f32 v63;
	v50 =	vmul.f32 v2, v40  }
0x127: {  	v58 =	vld [tilespmem:s24+$0x6618];
	v56 =	vmax.f32 v0, $1.000000000e-30;
	vm6 =	vgt.s32 v45, $0x0;
	vm10 =	vne.f32 v1, $0.0e+00  }
0x128: {  	v57 =	vld [tilespmem:s24+$0x3F08];
	v54 =	vmul.f32 $6.931471820e-01, v44;
	v44 =	vand.u32 $0x7FFFFF, v56;
	vm10 =	vmand vm6, vm10  }
0x129: {  	v59 =	vld.idx.msk [tilespmem:v59+s2+$0x0], $0xffff;
	v1 =	vor.u32 $0x3F800000, v44;
	v62 =	vnsel vm10, $0xBF800000, v51;
	v63 =	vnsel vm10, $0xBF800000, v46  }
0x12a: {  	v50 =	vadd.f32 v50, v54;
	v40 =	vmul.f32 $5.000000000e-01, v1;
	vm10 =	vgt.f32 v1, $1.414213540e+00  }
0x12b: {  	v39 =	vld [tilespmem:s24+$0x2B80];
	vm13 =	vgt.f32 v62, $0.0e+00;
	vm14 =	vgt.f32 v63, $0.0e+00;
	vm15 =	vlt.f32 v63, $0.0e+00  }
0x12c: {  	v55 =	vld [tilespmem:s24+$0x470];
	vm13 =	vmneg vm13;
	vm14 =	vmneg vm14;
	v1 =	vsel vm10, v40, v1  }
0x12d: {  	v44 =	vld [tilespmem:s24+$0x5290];
	v40 =	vsub.f32 v58, v57;
	vm12 =	vmor vm13, vm14;
	vm13 =	vge.f32 v19, $0.0e+00  }
0x12e: {  	v58 =	vsub.f32 v59, v60;
	v60 =	vimm.f32 $0.0e+00;
	vm14 =	vge.f32 v26, $0.0e+00  }
0x12f: {  	v2 =	vadd.f32 $1.000000000e+00, v1;
	v59 =	vsel vm13, $0x3F800000, v60;
	vm13 =	vlt.f32 v62, $0.0e+00  }
0x130: {  	v60 =	vimm.f32 $0.0e+00;
	v62 =	vimm.f32 $1.000000000e+00;
	v1 =	vadd.f32 $-1.000000000e+00, v1;
	v45 =	vpop (erf)  }
0x131: {  	v60 =	vsel vm0, $0x3F800000, v60;
	v0 =	vmul.f32 v45, v41;
	v45 =	vshll.u32 v55, $0x3  }
0x132: {  	v41 =	vsub.f32 v44, v39;
	(erf) = vrcp.f32 v2;
	v2 =	vor.u32 $0x2, v45  }
0x133: {  	[tilespmem:s24+$0x8CB8] =	vst v4;
	vm13 =	vmor vm13, vm15;
	v4 =	vmul.f32 v58, v37;
	v55 =	vmul.f32 v0, v0  }
0x134: {  	v63 =	vsel vm12, $0x0, v62;
	v37 =	vnsel vm11, $0x0, v50;
	(erf) = vrcp.f32 v41  }
0x135: {  	[tilespmem:s24+$0x7930] =	vst v3;
	vm0 =	vmand vm8, vm11;
	(erf) = vrcp.f32 v40;
	v54 =	vmul.f32 $1.428571490e-01, v55  }
0x136: {  	[tilespmem:s24+$0xA040] =	vst v7;
	v62 =	vimm.f32 $0.0e+00;
	vm12 =	vgt.f32 v53, $0.0e+00;
	v58 =	vsel vm9, $0x1, v8  }
0x137: {  	[tilespmem:s24+$0xC750] =	vst v9;
	vm15 =	vge.f32 v32, $0.0e+00;
	v7 =	vsel vm13, $0xBF800000, v63;
	v3 =	vadd.f32 $2.000000030e-01, v54;
	v2 =	vld.idx.msk [tilespmem:v2+s2+$0x0], $0xffff  }
0x138: {  	v9 =	vsel vm1, $0x3F800000, v62;
	vm13 =	vgt.f32 v52, $0.0e+00;
	[tilespmem:s24+$0xEE80] =	vst v60;
	v60 =	vimm.f32 $0.0e+00  }
0x139: {  	v50 =	vnsel vm11, $0x0, v4;
	v54 =	vor.u32 $0x5, v45;
	v3 =	vmul.f32 v3, v55  }
0x13a: {  	vm9 =	vmand vm12, vm13;
	vm11 =	vgt.f32 v51, $0.0e+00;
	vm12 =	vge.f32 v34, $0.0e+00  }
0x13b: {  	vm13 =	vgt.f32 v49, $0.0e+00;
	v0 =	vadd.f32 v0, v0;
	v4 =	vpop (erf);
	v63 =	vadd.f32 $3.333333430e-01, v3  }
0x13c: {  	[tilespmem:s24+$0xB3C8] =	vst v5;
	v1 =	vmul.f32 v4, v1;
	v5 =	vsub.f32 v2, v57;
	v2 =	vadd.s32 v58, v61  }
0x13d: {  	vm2 =	vmand vm6, vm11;
	v3 =	vpop (erf);
	v62 =	vmul.f32 v63, v55;
	v2 =	vadd.s32 $0xFFFFFF81, v2  }
0x13e: {  	[tilespmem:s24+$0x101E8] =	vst v10;
	v63 =	vld.idx.msk [tilespmem:v54+s2+$0x0], $0xffff;
	v10 =	vmul.f32 v1, v1;
	v54 =	vor.u32 $0x4, v48;
	v53 =	vpop (erf);
	v2 =	vcvt.s32.f32 v2  }
0x13f: {  	[tilespmem:s24+$0xEE60] =	vst v6;
	v55 =	vmul.f32 v53, v5;
	v6 =	vadd.f32 $1.000000000e+00, v62;
	v62 =	vimm.f32 $0.0e+00  }
0x140: {  	[tilespmem:s24+$0x8CC8] =	vst v13;
	v1 =	vadd.f32 v1, v1;
	v61 =	vmul.f32 $1.428571490e-01, v10;
	v13 =	vsel vm14, $0x3F800000, v62  }
0x141: {  	v2 =	vmul.f32 $6.931471820e-01, v2;
	v62 =	vshra.s32 v56, $0x17;
	v8 =	vmax.f32 v55, $1.000000000e-30  }
0x142: {  	[tilespmem:s24+$0xB3D8] =	vst v12;
	v56 =	vld.idx.msk [tilespmem:v45+s2+$0x0], $0xffff;
	v0 =	vmul.f32 v6, v0;
	v12 =	vadd.f32 $2.000000030e-01, v61;
	v55 =	vadd.f32 v42, v38  }
0x143: {  	v42 =	vimm.f32 $0.0e+00;
	v58 =	vand.u32 $0x7FFFFF, v8;
	v4 =	vsub.f32 v63, v57  }
0x144: {  	[tilespmem:s24+$0x7940] =	vst v11;
	v8 =	vshra.s32 v8, $0x17;
	v11 =	vor.u32 $0x3F800000, v58;
	v12 =	vmul.f32 v12, v10  }
0x145: {  	[tilespmem:s24+$0xA050] =	vst v15;
	v0 =	vadd.f32 v0, v2;
	v15 =	vmul.f32 $5.000000000e-01, v55;
	v55 =	vor.u32 $0x6, v45  }
0x146: {  	[tilespmem:s24+$0xDAE8] =	vst v16;
	v16 =	vld.idx.msk [tilespmem:v54+s2+$0x0], $0xffff;
	v63 =	vmul.f32 $5.000000000e-01, v11;
	vm8 =	vgt.f32 v11, $1.414213540e+00;
	v52 =	vmul.f32 v53, v4  }
0x147: {  	[tilespmem:s24+$0x8CD8] =	vst v59;
	v53 =	vor.u32 $0x1, v48;
	v59 =	vadd.f32 $3.333333430e-01, v12;
	vm14 =	vne.f32 v56, $0.0e+00  }
0x148: {  	[tilespmem:s24+$0x7980] =	vst v34;
	v34 =	vsel vm8, $0x1, v29;
	v11 =	vsel vm8, v63, v11;
	v6 =	vmax.f32 v52, $1.000000000e-30  }
0x149: {  	v8 =	vadd.s32 v34, v8;
	vm8 =	vgt.f32 v40, $0.0e+00;
	v57 =	vadd.f32 $1.000000000e+00, v11  }
0x14a: {  	v58 =	vand.u32 $0x7FFFFF, v6;
	v2 =	vmul.f32 v59, v10;
	v10 =	vsel vm10, $0x1, v20  }
0x14b: {  	vm10 =	vgt.f32 v47, $0.0e+00;
	v47 =	vor.u32 $0x3, v45;
	v52 =	vsub.f32 v16, v15  }
0x14c: {  	v11 =	vadd.f32 $-1.000000000e+00, v11;
	v59 =	vimm.f32 $0.0e+00;
	v20 =	vsel vm7, $0x3F800000, v60  }
0x14d: {  	[tilespmem:s24+$0xEE70] =	vst v14;
	v8 =	vadd.s32 $0xFFFFFF81, v8;
	v6 =	vshra.s32 v6, $0x17;
	v61 =	vor.u32 $0x3F800000, v58  }
0x14e: {  	[tilespmem:s24+$0x7950] =	vst v19;
	v10 =	vadd.s32 v10, v62;
	vm3 =	vmand vm10, vm9;
	(erf) = vrcp.f32 v57  }
0x14f: {  	[tilespmem:s24+$0x10218] =	vst v18;
	v58 =	vimm.f32 $0.0e+00;
	v18 =	vsel vm12, $0x3F800000, v59;
	v63 =	vmul.f32 $5.000000000e-01, v61  }
0x150: {  	[tilespmem:s24+$0xC770] =	vst v23;
	v8 =	vcvt.s32.f32 v8;
	vm1 =	vgt.f32 v61, $1.414213540e+00;
	v2 =	vadd.f32 $1.000000000e+00, v2  }
0x151: {  	[tilespmem:s24+$0xEE90] =	vst v17;
	v10 =	vadd.s32 $0xFFFFFF81, v10;
	v57 =	vimm.f32 $0.0e+00;
	v12 =	vsel vm1, v63, v61  }
0x152: {  	[tilespmem:s24+$0xA070] =	vst v25;
	v14 =	vld.idx.msk [tilespmem:v53+s2+$0x0], $0xffff;
	v0 =	vnsel vm3, $0x0, v0;
	v17 =	vsel vm5, $0x3F800000, v58;
	v38 =	vadd.f32 $1.000000000e+00, v12  }
0x153: {  	[tilespmem:s24+$0x7960] =	vst v26;
	v23 =	vcvt.s32.f32 v10;
	v10 =	vsel vm15, $0x3F800000, v42;
	v19 =	vsel vm4, $0x3F800000, v57  }
0x154: {  	[tilespmem:s24+$0xB3F8] =	vst v24;
	vm4 =	vmand vm13, vm9;
	v8 =	vmul.f32 $6.931471820e-01, v8;
	(erf) = vrcp.f32 v38  }
0x155: {  	[tilespmem:s24+$0x10208] =	vst v9;
	vm15 =	vgt.f32 v46, $0.0e+00;
	v1 =	vmul.f32 v2, v1;
	v9 =	vmul.f32 $6.931471820e-01, v23  }
0x156: {  	[tilespmem:s24+$0xDB08] =	vst v27;
	v49 =	vsel vm1, $0x1, v29;
	vm9 =	vgt.f32 v5, $0.0e+00;
	v12 =	vadd.f32 $-1.000000000e+00, v12  }
0x157: {  	[tilespmem:s24+$0x7970] =	vst v32;
	v54 =	vld [tilespmem:s24+$0x17F8];
	v61 =	vimm.f32 $0.0e+00;
	v14 =	vsub.f32 v14, v15;
	v1 =	vadd.f32 v1, v9;
	v53 =	vpop (erf)  }
0x158: {  	[tilespmem:s24+$0xA080] =	vst v31;
	v9 =	vsel vm0, $0x3F800000, v61;
	v38 =	vadd.f32 v44, v39;
	v11 =	vmul.f32 v53, v11  }
0x159: {  	[tilespmem:s24+$0xC790] =	vst v33;
	v39 =	vor.u32 $0x1, v45;
	v48 =	vmul.f32 v14, v43;
	v14 =	vmul.f32 v52, v43  }
0x15a: {  	[tilespmem:s24+$0x8CE8] =	vst v13;
	v2 =	vld.idx.msk [tilespmem:v47+s2+$0x0], $0xffff;
	v1 =	vnsel vm4, $0x0, v1;
	v52 =	vadd.s32 v49, v6;
	v62 =	vmul.f32 v11, v11  }
0x15b: {  	v16 =	vld.idx.msk [tilespmem:v55+s2+$0x0], $0xffff;
	[tilespmem:s24+$0xB428] =	vst v0;
	v43 =	vor.u32 $0x4, v45;
	v0 =	vadd.s32 $0xFFFFFF81, v52;
	v13 =	vnsel vm3, $0x0, v48  }
0x15c: {  	[tilespmem:s24+$0xA090] =	vst v36;
	vm3 =	vmand vm2, vm3;
	vm2 =	vgt.s32 v54, $0x0;
	v25 =	vmul.f32 $1.428571490e-01, v62  }
0x15d: {  	[tilespmem:s24+$0xB418] =	vst v35;
	v14 =	vnsel vm4, $0x0, v14;
	v54 =	vmul.f32 $5.000000000e-01, v38;
	v0 =	vcvt.s32.f32 v0;
	v63 =	vpop (erf)  }
0x15e: {  	[tilespmem:s24+$0xDB28] =	vst v37;
	vm0 =	vmand vm2, vm14;
	v12 =	vmul.f32 v63, v12;
	v15 =	vadd.f32 $2.000000030e-01, v25  }
0x15f: {  	[tilespmem:s24+$0xC7A0] =	vst v50;
	vm14 =	vmand vm6, vm15;
	v47 =	vsel vm3, $0x3F800000, v30;
	v24 =	vnsel vm0, $0xBF800000, v2  }
0x160: {  	[tilespmem:s24+$0xEEB0] =	vst v20;
	v26 =	vnsel vm0, $0xBF800000, v16;
	v33 =	vmul.f32 v12, v12;
	v15 =	vmul.f32 v15, v62  }
0x161: {  	[tilespmem:s24+$0x8D08] =	vst v18;
	vm0 =	vmand vm14, vm4;
	vm14 =	vge.f32 v7, $0.0e+00;
	v0 =	vmul.f32 $6.931471820e-01, v0  }
0x162: {  	[tilespmem:s24+$0x7990] =	vst v7;
	vm12 =	vgt.f32 v24, $0.0e+00;
	v42 =	vmul.f32 $1.428571490e-01, v33;
	v15 =	vadd.f32 $3.333333430e-01, v15  }
0x163: {  	[tilespmem:s24+$0x10228] =	vst v17;
	vm13 =	vlt.f32 v24, $0.0e+00;
	vm10 =	vgt.f32 v26, $0.0e+00;
	vm11 =	vlt.f32 v26, $0.0e+00  }
0x164: {  	[tilespmem:s24+$0x8CF8] =	vst v10;
	v48 =	vld.idx.msk [tilespmem:v39+s2+$0x0], $0xffff;
	v11 =	vadd.f32 v11, v11;
	v10 =	vmul.f32 v15, v62;
	v15 =	vadd.f32 $2.000000030e-01, v42  }
0x165: {  	[tilespmem:s24+$0xEEA0] =	vst v19;
	v45 =	vsel vm14, $0x3F800000, v30;
	v55 =	vsel vm0, $0x3F800000, v30;
	vm15 =	vmneg vm12  }
0x166: {  	[tilespmem:s24+$0x10238] =	vst v9;
	vm6 =	vmneg vm10;
	v10 =	vadd.f32 $1.000000000e+00, v10;
	v46 =	vmul.f32 v15, v33  }
0x167: {  	[tilespmem:s24+$0xDB38] =	vst v1;
	vm13 =	vmor vm13, vm11;
	vm12 =	vmor vm15, vm6;
	vm15 =	vgt.f32 v41, $0.0e+00  }
0x168: {  	[tilespmem:s24+$0xA0A0] =	vst v13;
	v51 =	vld.idx.msk [tilespmem:v43+s2+$0x0], $0xffff;
	v32 =	vsel vm12, $0x0, v28;
	v44 =	vmul.f32 v10, v11;
	v11 =	vadd.f32 $3.333333430e-01, v46  }
0x169: {  	[tilespmem:s24+$0xC7B0] =	vst v14;
	vm10 =	vmand vm15, vm8;
	v57 =	vsub.f32 v48, v54;
	vm12 =	vgt.f32 v4, $0.0e+00  }
0x16a: {  	[tilespmem:s24+$0xEEC0] =	vst v47;
	vm15 =	vgt.f32 v16, $0.0e+00;
	v17 =	vsel vm13, $0xBF800000, v32;
	v53 =	vmul.f32 v11, v33  }
0x16b: {  	[tilespmem:s24+$0x8D18] =	vst v45;
	vm1 =	vmand vm9, vm10;
	vm13 =	vgt.f32 v2, $0.0e+00;
	vm11 =	vge.f32 v17, $0.0e+00  }
0x16c: {  	[tilespmem:s24+$0x10248] =	vst v55;
	v58 =	vadd.f32 v12, v12;
	v59 =	vmul.f32 v57, v3;
	v6 =	vadd.f32 $1.000000000e+00, v53  }
0x16d: {  	[tilespmem:s24+$0x79A0] =	vst v17;
	v56 =	vsel vm11, $0x3F800000, v30;
	v50 =	vadd.f32 v44, v8;
	v8 =	vsub.f32 v51, v54  }
0x16e: {  	s22 =	sadd.s32 $0x8, s22;
	vm14 =	vmand vm2, vm13;
	v60 =	vnsel vm1, $0x0, v59;
	[tilespmem:s24+$0x8D28] =	vst v56;
	v6 =	vmul.f32 v6, v58  }
0x16f: {  	p0 =	slt.u32 s22, $0x130;
	[tilespmem:s24+$0xA0B0] =	vst v60;
	v5 =	vnsel vm1, $0x0, v50;
	v3 =	vmul.f32 v8, v3;
	vm1 =	vmand vm14, vm1  }
.Ltmp0:
0x170: {  	vm0 =	vmand vm12, vm10;
	[tilespmem:s24+$0xB438] =	vst v5;
	v62 =	vsel vm1, $0x3F800000, v30;
	v0 =	vadd.f32 v6, v0;
	(pc) =	sbr.rel @p0 .LBB2_2-.Ltmp0, $4  }
0x171: {  	vm2 =	vmand vm2, vm15;
	v61 =	vnsel vm0, $0x0, v3;
	[tilespmem:s24+$0xEED0] =	vst v62  }
0x172: {  	[tilespmem:s24+$0xC7C0] =	vst v61;
	v0 =	vnsel vm0, $0x0, v0;
	vm0 =	vmand vm2, vm0  }
0x173: {  	[tilespmem:s24+$0xDB48] =	vst v0;
	v63 =	vsel vm0, $0x3F800000, v30  }
0x174: {  	s23 =	sadd.s32 $0x200, s23;
	[tilespmem:s24+$0x10258] =	vst v63  }
0x175: {  	v0 =	vld [tilespmem:$0x1778]  }
0x176: {  	v1 =	vld [tilespmem:$0x3E88]  }
0x177: {  	v2 =	vld [tilespmem:$0x5210]  }
0x178: {  	v3 =	vld [tilespmem:$0x6598]  }
0x179: {  	v4 =	vld [tilespmem:$0x7920];
	_ =	sdelay $0x3  }
0x17a: {  	v0 =	vshll.u32 v0, $0x3;
	v5 =	vsub.f32 v3, v1  }
0x17b: {  	v4 =	vsub.f32 v4, v2;
	v6 =	vor.u32 $0x2, v0  }
0x17c: {  	(erf) = vrcp.f32 v5  }
0x17d: {  	(erf) = vrcp.f32 v4;
	_ =	sdelay $0x2  }
0x17e: {  	v6 =	vld.idx.msk [tilespmem:v6+s2+$0x0], $0xffff;
	_ =	sdelay $0x3  }
0x17f: {  	v7 =	vor.u32 $0x5, v0  }
0x180: {  	v8 =	vpop (erf);
	v6 =	vsub.f32 v6, v2  }
0x181: {  	v9 =	vpop (erf)  }
0x182: {  	v10 =	vmul.f32 v9, v6;
	_ =	sdelay $0x1  }
0x183: {  	v7 =	vld.idx.msk [tilespmem:v7+s2+$0x0], $0xffff;
	v10 =	vmax.f32 v10, $1.000000000e-30  }
0x184: {  	v11 =	vand.u32 $0x7FFFFF, v10  }
0x185: {  	v11 =	vor.u32 $0x3F800000, v11  }
0x186: {  	v12 =	vmul.f32 $5.000000000e-01, v11  }
0x187: {  	vm1 =	vgt.f32 v11, $1.414213540e+00  }
0x188: {  	v2 =	vsub.f32 v7, v2;
	v11 =	vsel vm1, v12, v11  }
0x189: {  	v44 =	vadd.f32 $1.000000000e+00, v11  }
0x18a: {  	v9 =	vmul.f32 v9, v2  }
0x18b: {  	(erf) = vrcp.f32 v44  }
0x18c: {  	v45 =	vmax.f32 v9, $1.000000000e-30  }
0x18d: {  	v9 =	vand.u32 $0x7FFFFF, v45  }
0x18e: {  	v13 =	vor.u32 $0x3, v0;
	v9 =	vor.u32 $0x3F800000, v9  }
0x18f: {  	v54 =	vor.u32 $0x1, v0;
	v46 =	vmul.f32 $5.000000000e-01, v9  }
0x190: {  	vm2 =	vgt.f32 v9, $1.414213540e+00  }
0x191: {  	v47 =	vor.u32 $0x6, v0;
	v48 =	vld.idx.msk [tilespmem:v0+s2+$0x0], $0xffff;
	v0 =	vor.u32 $0x4, v0;
	v9 =	vsel vm2, v46, v9  }
0x192: {  	v15 =	vld [tilespmem:$0x2B00];
	v14 =	vadd.f32 $1.000000000e+00, v9  }
0x193: {  	v13 =	vld.idx.msk [tilespmem:v13+s2+$0x0], $0xffff  }
0x194: {  	v1 =	vadd.f32 v3, v1;
	v3 =	vld.idx.msk [tilespmem:v54+s2+$0x0], $0xffff;
	v16 =	vpop (erf);
	(erf) = vrcp.f32 v14;
	_ =	sdelay $0x1  }
0x195: {  	v0 =	vld.idx.msk [tilespmem:v0+s2+$0x0], $0xffff  }
0x196: {  	vm0 =	vgt.s32 v15, $0x0;
	v1 =	vmul.f32 $5.000000000e-01, v1;
	vm3 =	vne.f32 v48, $0.0e+00  }
0x197: {  	vm14 =	vgt.f32 v5, $0.0e+00;
	vm3 =	vmand vm0, vm3  }
0x198: {  	vm15 =	vgt.f32 v4, $0.0e+00;
	v3 =	vsub.f32 v3, v1;
	v50 =	vnsel vm3, $0xBF800000, v13  }
0x199: {  	vm8 =	vmand vm14, vm15;
	vm11 =	vgt.f32 v50, $0.0e+00  }
0x19a: {  	v3 =	vmul.f32 v3, v8;
	v0 =	vsub.f32 v0, v1;
	v11 =	vadd.f32 $-1.000000000e+00, v11  }
0x19b: {  	v10 =	vshra.s32 v10, $0x17;
	v7 =	vshra.s32 v45, $0x17;
	v9 =	vadd.f32 $-1.000000000e+00, v9  }
0x19c: {  	v0 =	vmul.f32 v0, v8;
	v52 =	vsel vm1, $0x1, v29;
	v11 =	vmul.f32 v16, v11;
	v18 =	vpop (erf)  }
0x19d: {  	v55 =	vsel vm2, $0x1, v29;
	v12 =	vld.idx.msk [tilespmem:v47+s2+$0x0], $0xffff;
	v10 =	vadd.s32 v52, v10;
	v9 =	vmul.f32 v18, v9  }
0x19e: {  	v7 =	vadd.s32 v55, v7;
	v10 =	vadd.s32 $0xFFFFFF81, v10;
	v16 =	vmul.f32 v11, v11  }
0x19f: {  	v7 =	vadd.s32 $0xFFFFFF81, v7;
	v10 =	vcvt.s32.f32 v10;
	v53 =	vmul.f32 v9, v9  }
0x1a0: {  	vm12 =	vlt.f32 v50, $0.0e+00;
	v7 =	vcvt.s32.f32 v7;
	v17 =	vmul.f32 $1.428571490e-01, v16  }
0x1a1: {  	vm10 =	vgt.f32 v6, $0.0e+00;
	v10 =	vmul.f32 $6.931471820e-01, v10;
	v56 =	vmul.f32 $1.428571490e-01, v53  }
0x1a2: {  	v7 =	vmul.f32 $6.931471820e-01, v7;
	v51 =	vnsel vm3, $0xBF800000, v12;
	v49 =	vadd.f32 $2.000000030e-01, v17  }
0x1a3: {  	vm3 =	vmneg vm11;
	vm11 =	vmand vm10, vm8;
	v5 =	vadd.f32 $2.000000030e-01, v56  }
0x1a4: {  	vm15 =	vgt.f32 v12, $0.0e+00;
	vm4 =	vgt.f32 v51, $0.0e+00;
	v14 =	vmul.f32 v49, v16  }
0x1a5: {  	vm13 =	vlt.f32 v51, $0.0e+00;
	v3 =	vnsel vm11, $0x0, v3;
	v5 =	vmul.f32 v5, v53  }
0x1a6: {  	vm4 =	vmneg vm4;
	vm1 =	vmor vm12, vm13;
	v14 =	vadd.f32 $3.333333430e-01, v14  }
0x1a7: {  	vm12 =	vgt.f32 v2, $0.0e+00;
	vm13 =	vgt.f32 v13, $0.0e+00;
	v5 =	vadd.f32 $3.333333430e-01, v5  }
0x1a8: {  	vm3 =	vmor vm3, vm4;
	vm14 =	vmand vm0, vm13;
	v14 =	vmul.f32 v14, v16  }
0x1a9: {  	vm0 =	vmand vm0, vm15;
	v57 =	vsel vm3, $0x0, v28;
	v5 =	vmul.f32 v5, v53  }
0x1aa: {  	vm2 =	vmand vm14, vm11;
	v11 =	vadd.f32 v11, v11;
	v14 =	vadd.f32 $1.000000000e+00, v14  }
0x1ab: {  	[tilespmem:$0xB3B8] =	vst v3;
	v4 =	vsel vm1, $0xBF800000, v57;
	v9 =	vadd.f32 v9, v9;
	v5 =	vadd.f32 $1.000000000e+00, v5  }
0x1ac: {  	vm1 =	vmand vm12, vm8;
	v62 =	vsel vm2, $0x3F800000, v30;
	[tilespmem:$0x8CA8] =	vst v4;
	v11 =	vmul.f32 v14, v11  }
0x1ad: {  	vm9 =	vge.f32 v4, $0.0e+00;
	v0 =	vnsel vm1, $0x0, v0;
	[tilespmem:$0x101D8] =	vst v62;
	v5 =	vmul.f32 v5, v9  }
0x1ae: {  	vm0 =	vmand vm0, vm1;
	v58 =	vsel vm9, $0x3F800000, v30;
	[tilespmem:$0xDAC8] =	vst v0;
	v10 =	vadd.f32 v11, v10  }
0x1af: {  	v63 =	vsel vm0, $0x3F800000, v30;
	[tilespmem:$0xA030] =	vst v58;
	v60 =	vadd.f32 v5, v7  }
0x1b0: {  	[tilespmem:$0x11560] =	vst v63;
	v59 =	vnsel vm11, $0x0, v10  }
0x1b1: {  	[tilespmem:$0xC740] =	vst v59;
	v61 =	vnsel vm1, $0x0, v60  }
0x1b2: {  	[tilespmem:$0xEE50] =	vst v61  }
0x1b3: {  	[hbm4b:s10+s2] =	stream.linear.scatter [tilespmem:s26], [sflag:$0x2], $0x1388, $0x38;
	[tilespmem:$0x11570] =	vst v63  }
0x1b4: {  	_ = 	snop  }
0x1b5: {  	[hbm4b:s11+s2] =	stream.linear.scatter [tilespmem:s28], [sflag:$0x2], $0x1388, $0x38;
	[tilespmem:$0x11570] =	vst v63  }
0x1b6: {  	_ = 	snop  }
0x1b7: {  	[hbm4b:s12+s2] =	stream.linear.scatter [tilespmem:s29], [sflag:$0x2], $0x1388, $0x38;
	[tilespmem:$0x11570] =	vst v63  }
0x1b8: {  	_ = 	snop  }
0x1b9: {  	[hbm4b:s13+s2] =	stream.linear.scatter [tilespmem:s30], [sflag:$0x2], $0x1388, $0x38;
	[tilespmem:$0x11570] =	vst v63  }
0x1ba: {  	_ = 	snop  }
0x1bb: {  	[hbm4b:s14+s2] =	stream.linear.scatter [tilespmem:s31], [sflag:$0x2], $0x1388, $0x38;
	[tilespmem:$0x11570] =	vst v63  }
0x1bc: {  	_ = 	snop  }
0x1bd: {  	[hbm4b:s15+s2] =	stream.linear.scatter [tilespmem:s0], [sflag:$0x2], $0x1388, $0x38;
	[tilespmem:$0x11570] =	vst v63  }
0x1be: {  	_ = 	snop  }
0x1bf: {  	[hbm4b:s16+s2] =	stream.linear.scatter [tilespmem:s1], [sflag:$0x2], $0x1388, $0x38;
	[tilespmem:$0x11570] =	vst v63  }
0x1c0: {  	_ = 	snop  }
0x1c1: {  	[hbm4b:s17+s2] =	stream.linear.scatter [tilespmem:s19], [sflag:$0x2], $0x1388, $0x38;
	[tilespmem:$0x11570] =	vst v63  }
0x1c2: {  	_ =	swait.ge [sflag:s20], $0x1388  }
0x1c3: {  	[sflag:s20] =	ssyncset.done $0x0  }
0x1c4: {  	[sflag:s20] =	ssyncadd.s32 $0xFFFFEC78  }
0x1c5: {  	_ =	swait.ge [sflag:s20], $0x1388  }
0x1c6: {  	[sflag:s20] =	ssyncset.done $0x0  }
0x1c7: {  	[sflag:s20] =	ssyncadd.s32 $0xFFFFEC78  }
0x1c8: {  	_ =	swait.ge [sflag:s20], $0x1388  }
0x1c9: {  	[sflag:s20] =	ssyncset.done $0x0  }
0x1ca: {  	[sflag:s20] =	ssyncadd.s32 $0xFFFFEC78  }
0x1cb: {  	_ =	swait.ge [sflag:s20], $0x1388  }
0x1cc: {  	[sflag:s20] =	ssyncset.done $0x0  }
0x1cd: {  	[sflag:s20] =	ssyncadd.s32 $0xFFFFEC78  }
0x1ce: {  	_ =	swait.ge [sflag:s20], $0x1388  }
0x1cf: {  	[sflag:s20] =	ssyncset.done $0x0  }
0x1d0: {  	[sflag:s20] =	ssyncadd.s32 $0xFFFFEC78  }
0x1d1: {  	_ =	swait.ge [sflag:s20], $0x1388  }
0x1d2: {  	[sflag:s20] =	ssyncset.done $0x0  }
0x1d3: {  	s21 =	sadd.s32 $0x1, s21;
	[sflag:s20] =	ssyncadd.s32 $0xFFFFEC78  }
0x1d4: {  	p0 =	sne.s32 s21, s18;
	_ =	swait.ge [sflag:s20], $0x1388  }
.Ltmp1:
0x1d5: {  	[sflag:s20] =	ssyncset.done $0x0;
	(pc) =	sbr.rel @p0 .LBB2_1-.Ltmp1, $4  }
0x1d6: {  	[sflag:s20] =	ssyncadd.s32 $0xFFFFEC78  }
0x1d7: {  	_ =	swait.ge [sflag:s20], $0x1388  }
0x1d8: {  	[sflag:s20] =	ssyncset.done $0x0  }
0x1d9: {  	[sflag:s20] =	ssyncadd.s32 $0xFFFFEC78  }
0x1da: {  	_ =	sfence.sel $0x180000  }
0x1db: {  	[bflag:$0x0] =	sbarrier.arrive $0xFFFF  }
0x1dc: {  	_ =	strace $0x90000047  }
0x1dd: {  	s0 =	stileid.u32;
	[bflag:$0x2] =	sbarrier.arrive $0xFFFF  }
0x1de: {  	p0 =	sne.s32 s0, $0x0;
	s0 =	rddreg [dreg:$0x5]  }
0x1df: {  	s0 =	sadd.s32 @!p0 $0x100000, s0  }
0x1e0: {  	[sflag:s0] =	ssyncadd.tile.s32 @!p0 $0x1;
	_ =	shalt  }
.Lfunc_end2:
_tile_overlayer_lowered:
.L_overlay_start_2:
0x1e1: {  	(tag) =	ssettag $0x2  }
0x1e2: {  	s0 =	rddreg [dreg:$0x0];
	s2 =	stileid.u32  }
0x1e3: {  	s1 =	rddreg [dreg:$0x1];
	p0 =	sne.s32 s2, $0x0  }
0x1e4: {  	s3 =	rddreg [dreg:$0x2];
	[bflag:$0x3] =	sbarrier.arrive $0xFFFF;
	s2 =	simm.s32 @!p0 $0x1C03  }
0x1e5: {  	[timem:s3], [sflag:s2] =	dma.local @!p0 [hbm:s0], s1  }
0x1e6: {  	s0 =	simm.s32 @!p0 $0x3  }
0x1e7: {  	_ =	swait.ge @!p0 [sflag:s0], s1  }
0x1e8: {  	s1 =	ssub.s32 @!p0 $0x0, s1;
	[sflag:s0] =	ssyncset.done @!p0 $0x0  }
0x1e9: {  	[sflag:s0] =	ssyncadd.s32 @!p0 s1  }
0x1ea: {  	[bflag:$0x3] =	sbarrier.arrive $0xFFFF  }
0x1eb: {  	_ =	shalt  }

</sc_bundles>
